<compile_context>
chip_gen: v7x
topology: tpu7x:2x2x1
jax: 0.10.2.dev20260603
libtpu: 0.0.44.dev20260713+nightly
codegen_flags: <defaults>
</compile_context>

<pallas_src>
import functools

import jax
import jax.numpy as jnp
from jax import lax
from jax.experimental import pallas as pl
from jax.experimental.pallas import tpu as pltpu
from jax.experimental.pallas import tpu_sc as plsc

N = 10000
D = 128
E = 320000
L = 16
NC = 2
NS = 16
NW = NC * NS
K = 128
ITERS = 79
EP = NW * K * ITERS
EPW = EP // NW
NP = 10240
ZR = NP // NS
PAD_SRC = N
PAD_DST = N + 8

_mesh = plsc.VectorSubcoreMesh(core_axis_name="c", subcore_axis_name="s")


def _deg_body(dst_hbm, out_hbm, acc, idx_v, ones_v, zrow_v):
    c = lax.axis_index("c")
    s = lax.axis_index("s")
    wid = s * NC + c

    def init(r, _):
        ones_v[r, :] = jnp.ones((L,), jnp.float32)
        zrow_v[r, :] = jnp.zeros((L,), jnp.float32)
        return 0

    lax.fori_loop(0, K, init, 0)

    rbase = s * ZR
    for k in range(ZR // K):
        pltpu.sync_copy(zrow_v, acc.at[pl.ds(rbase + k * K, K)])
    plsc.subcore_barrier()

    ebase = wid * EPW

    def step(g, _):
        pltpu.sync_copy(dst_hbm.at[pl.ds(ebase + g * K, K)], idx_v)
        pltpu.sync_copy(ones_v, acc.at[idx_v], add=True)
        return 0

    lax.fori_loop(0, ITERS, step, 0)
    plsc.subcore_barrier()
    pltpu.sync_copy(acc.at[pl.ds(rbase, ZR)], out_hbm.at[c, pl.ds(rbase, ZR)])


_deg_call = pl.kernel(
    _deg_body,
    out_type=jax.ShapeDtypeStruct((NC, NP, L), jnp.float32),
    mesh=_mesh,
    scratch_types=[
        pltpu.VMEM_SHARED((NP, L), jnp.float32),
        pltpu.VMEM((K,), jnp.int32),
        pltpu.VMEM((K, L), jnp.float32),
        pltpu.VMEM((K, L), jnp.float32),
    ],
)


def _agg_body(h_hbm, src_hbm, dst_hbm, out_hbm, acc, sidx, didx, rows, zrow, gsem):
    c = lax.axis_index("c")
    s = lax.axis_index("s")
    wid = s * NC + c

    def zinit(r, _):
        for j in range(D // L):
            zrow[r, pl.ds(j * L, L)] = jnp.zeros((L,), jnp.float32)
        return 0

    lax.fori_loop(0, K, zinit, 0)

    rbase = s * ZR
    for k in range(ZR // K):
        pltpu.sync_copy(zrow, acc.at[pl.ds(rbase + k * K, K)])
    plsc.subcore_barrier()

    ebase = wid * EPW

    def step(g, _):
        pltpu.sync_copy(src_hbm.at[pl.ds(ebase + g * K, K)], sidx)
        pltpu.sync_copy(dst_hbm.at[pl.ds(ebase + g * K, K)], didx)
        pltpu.async_copy(h_hbm.at[sidx], rows, gsem).wait()
        pltpu.sync_copy(rows, acc.at[didx], add=True)
        return 0

    lax.fori_loop(0, ITERS, step, 0)
    plsc.subcore_barrier()
    pltpu.sync_copy(acc.at[pl.ds(rbase, ZR)], out_hbm.at[c, pl.ds(rbase, ZR)])


_agg_call = pl.kernel(
    _agg_body,
    out_type=jax.ShapeDtypeStruct((NC, NP, D), jnp.float32),
    mesh=_mesh,
    scratch_types=[
        pltpu.VMEM_SHARED((NP, D), jnp.float32),
        pltpu.VMEM((K,), jnp.int32),
        pltpu.VMEM((K,), jnp.int32),
        pltpu.VMEM((K, D), jnp.float32),
        pltpu.VMEM((K, D), jnp.float32),
        pltpu.SemaphoreType.DMA,
    ],
)



_TCR = 1280


def _dinv_of(degp_ref):
    deg = degp_ref[0] + degp_ref[1] + 1.0
    return lax.rsqrt(deg)[:, :1]


def _tc1_body(x_ref, w_ref, degp_ref, out_ref):
    h = jnp.dot(x_ref[...], w_ref[...], preferred_element_type=jnp.float32)
    out_ref[...] = h * _dinv_of(degp_ref)


_tc1_call = pl.pallas_call(
    _tc1_body,
    grid=(NP // _TCR,),
    in_specs=[
        pl.BlockSpec((_TCR, D), lambda i: (i, 0)),
        pl.BlockSpec((D, D), lambda i: (0, 0)),
        pl.BlockSpec((NC, _TCR, L), lambda i: (0, i, 0)),
    ],
    out_specs=pl.BlockSpec((_TCR, D), lambda i: (i, 0)),
    out_shape=jax.ShapeDtypeStruct((NP, D), jnp.float32),
)


def _tc2_body(aggp_ref, h1_ref, degp_ref, b1_ref, w2_ref, out_ref):
    dinv = _dinv_of(degp_ref)
    agg = aggp_ref[0] + aggp_ref[1] + h1_ref[...]
    r = jnp.maximum(agg * dinv + b1_ref[...], 0.0)
    h2 = jnp.dot(r, w2_ref[...], preferred_element_type=jnp.float32) * dinv
    row = pl.program_id(0) * _TCR + lax.broadcasted_iota(jnp.int32, (_TCR, 1), 0)
    out_ref[...] = jnp.where(row < N, h2, 0.0)


_tc2_call = pl.pallas_call(
    _tc2_body,
    grid=(NP // _TCR,),
    in_specs=[
        pl.BlockSpec((NC, _TCR, D), lambda i: (0, i, 0)),
        pl.BlockSpec((_TCR, D), lambda i: (i, 0)),
        pl.BlockSpec((NC, _TCR, L), lambda i: (0, i, 0)),
        pl.BlockSpec((1, D), lambda i: (0, 0)),
        pl.BlockSpec((D, D), lambda i: (0, 0)),
    ],
    out_specs=pl.BlockSpec((_TCR, D), lambda i: (i, 0)),
    out_shape=jax.ShapeDtypeStruct((NP, D), jnp.float32),
)

_TCR3 = 1000


def _tc3_body(aggp_ref, h2_ref, degp_ref, b2_ref, out_ref):
    dinv = _dinv_of(degp_ref)
    out_ref[...] = (aggp_ref[0] + aggp_ref[1] + h2_ref[...]) * dinv + b2_ref[...]


_tc3_call = pl.pallas_call(
    _tc3_body,
    grid=(N // _TCR3,),
    in_specs=[
        pl.BlockSpec((NC, _TCR3, D), lambda i: (0, i, 0)),
        pl.BlockSpec((_TCR3, D), lambda i: (i, 0)),
        pl.BlockSpec((NC, _TCR3, L), lambda i: (0, i, 0)),
        pl.BlockSpec((1, D), lambda i: (0, 0)),
    ],
    out_specs=pl.BlockSpec((_TCR3, D), lambda i: (i, 0)),
    out_shape=jax.ShapeDtypeStruct((N, D), jnp.float32),
)


def kernel(x, edge_index, W1, b1, W2, b2):
    src = edge_index[0].astype(jnp.int32)
    dst = edge_index[1].astype(jnp.int32)
    pad = EP - E
    src_p = jnp.concatenate([src, jnp.full((pad,), PAD_SRC, jnp.int32)])
    dst_p = jnp.concatenate([dst, jnp.full((pad,), PAD_DST, jnp.int32)])
    x_p = jnp.concatenate([x, jnp.zeros((NP - N, D), x.dtype)])

    degp = _deg_call(dst_p)
    h1 = _tc1_call(x_p, W1, degp)
    agg1 = _agg_call(h1, src_p, dst_p)
    h2 = _tc2_call(agg1, h1, degp, b1.reshape(1, D), W2)
    agg2 = _agg_call(h2, src_p, dst_p)
    return _tc3_call(agg2, h2, degp, b2.reshape(1, D))

# --- scband reference (transcript-rebuilt; emitter-appended) ---
"""Pipeline reference for scband-simple-gcn-9852654977192 (READ-ONLY COPY).

The authoritative reference and input builder live on the scoring server;
editing this copy changes nothing except your own understanding.
"""

import jax, jax.numpy as jnp
import numpy as np

N_NODES = 10000
N_EDGES = 320000
D_IN = 128
D_HID = 128
D_OUT = 128


def setup_inputs(seed: int = 0) -> dict:
    key = jax.random.key(seed)
    k1, k2, k3, k4, k5, k6 = jax.random.split(key, 6)
    x = jax.random.normal(k1, (N_NODES, D_IN), dtype=jnp.float32)
    edge_index = jax.random.randint(k2, (2, N_EDGES), 0, N_NODES, dtype=jnp.int64)
    # GCNConv layer 1 params (glorot-ish init)
    W1 = jax.random.normal(k3, (D_IN, D_HID), dtype=jnp.float32) * (1.0 / np.sqrt(D_IN))
    b1 = jnp.zeros((D_HID,), dtype=jnp.float32)
    # GCNConv layer 2 params
    W2 = jax.random.normal(k4, (D_HID, D_OUT), dtype=jnp.float32) * (1.0 / np.sqrt(D_HID))
    b2 = jnp.zeros((D_OUT,), dtype=jnp.float32)
    return {"x": x, "edge_index": edge_index, "W1": W1, "b1": b1, "W2": W2, "b2": b2}


def _gcn_conv(x, edge_index, W, b):
    # Faithful GCNConv: linear transform, add self-loops, symmetric deg normalization,
    # scatter-add aggregation, then bias.
    N = x.shape[0]
    src = edge_index[0]
    dst = edge_index[1]
    loop = jnp.arange(N, dtype=src.dtype)
    src = jnp.concatenate([src, loop])
    dst = jnp.concatenate([dst, loop])
    h = x @ W
    deg = jnp.zeros((N,), dtype=h.dtype).at[dst].add(1.0)
    deg_inv_sqrt = jnp.where(deg > 0, deg ** -0.5, 0.0)
    norm = deg_inv_sqrt[src] * deg_inv_sqrt[dst]
    msg = h[src] * norm[:, None]
    out = jnp.zeros((N, h.shape[1]), dtype=h.dtype).at[dst].add(msg)
    return out + b


def reference(x, edge_index, W1, b1, W2, b2):
    h = _gcn_conv(x, edge_index, W1, b1)
    h = jax.nn.relu(h)
    out = _gcn_conv(h, edge_index, W2, b2)
    return out

if __name__ == "__main__":
    import jax
    _d = setup_inputs()
    print(jax.jit(kernel)(*tuple(_d.values())))

</pallas_src>

<mosaic_0001>
#map = affine_map<(d0, d1) -> (0, 0)>
#map1 = affine_map<(d0, d1) -> (0)>
#map2 = affine_map<(d0, d1) -> (0, 0, 0)>
module attributes {stable_mosaic.version = 14 : i64} {
  func.func @_agg_body(%arg0: i32, %arg1: i32, %arg2: memref<10240x128xf32, #tpu.memory_space<hbm>>, %arg3: memref<323584xi32, #tpu.memory_space<hbm>>, %arg4: memref<323584xi32, #tpu.memory_space<hbm>>, %arg5: memref<2x10240x128xf32, #tpu.memory_space<hbm>>, %arg6: memref<10240x128xf32, #tpu.memory_space<vmem_shared>>, %arg7: memref<128xi32, #tpu.memory_space<vmem>>, %arg8: memref<128xi32, #tpu.memory_space<vmem>>, %arg9: memref<128x128xf32, #tpu.memory_space<vmem>>, %arg10: memref<128x128xf32, #tpu.memory_space<vmem>>, %arg11: memref<!tpu.dma_semaphore, #tpu.memory_space<semaphore_mem>>) attributes {dimension_semantics = [#tpu.dimension_semantics<core_parallel>, #tpu.dimension_semantics<subcore_parallel>], iteration_bounds = array<i64: 2, 16>, scalar_prefetch = 0 : i64, scratch_operands = 6 : i64, tpu.core_type = #tpu.core_type<sc_vector_subcore>, window_params = [{transform_indices = #map}, {transform_indices = #map1}, {transform_indices = #map1}, {transform_indices = #map2}]} {
    %mul3A = arith.constant 2 : i32
    %mul3A_0 = arith.muli %arg1, %mul3A : i32
    %add3A = arith.addi %mul3A_0, %arg0 : i32
    %scan3A = arith.constant 0 : i32
    %scan3A_1 = arith.constant 0 : i32
    %scan3A_2 = arith.constant 128 : i32
    %scan3A_3 = arith.addi %scan3A_1, %scan3A_2 : i32
    %scan3A_4 = arith.constant 1 : i32
    %scan3A_5 = scf.for %scan3A_29 = %scan3A_1 to %scan3A_3 step %scan3A_4 iter_args(%scan3A_30 = %scan3A) -> (i32)  : i32 {
      %broadcast_in_dim3A = arith.constant 0.000000e+00 : f32
      %broadcast_in_dim3A_31 = vector.broadcast %broadcast_in_dim3A : f32 to vector<16xf32>
      %swap3A = arith.index_cast %scan3A_29 : i32 to index
      %swap3A_32 = arith.constant 0 : index
      %swap3A_33 = tpu.vector_load %arg10[%swap3A, %swap3A_32] {strides = array<i32>} : memref<128x128xf32, #tpu.memory_space<vmem>>, vector<1x16xf32>,
      %swap3A_34 = vector.shape_cast %swap3A_33 : vector<1x16xf32> to vector<16xf32>
      %swap3A_35 = vector.shape_cast %broadcast_in_dim3A_31 : vector<16xf32> to vector<1x16xf32>
      tpu.vector_store %arg10[%swap3A, %swap3A_32], %swap3A_35 {strides = array<i32>} : memref<128x128xf32, #tpu.memory_space<vmem>>, vector<1x16xf32>,
      %broadcast_in_dim3A_36 = arith.constant 0.000000e+00 : f32
      %broadcast_in_dim3A_37 = vector.broadcast %broadcast_in_dim3A_36 : f32 to vector<16xf32>
      %swap3A_38 = arith.index_cast %scan3A_29 : i32 to index
      %swap3A_39 = arith.constant 16 : index
      %swap3A_40 = tpu.vector_load %arg10[%swap3A_38, %swap3A_39] {strides = array<i32>} : memref<128x128xf32, #tpu.memory_space<vmem>>, vector<1x16xf32>,
      %swap3A_41 = vector.shape_cast %swap3A_40 : vector<1x16xf32> to vector<16xf32>
      %swap3A_42 = vector.shape_cast %broadcast_in_dim3A_37 : vector<16xf32> to vector<1x16xf32>
      tpu.vector_store %arg10[%swap3A_38, %swap3A_39], %swap3A_42 {strides = array<i32>} : memref<128x128xf32, #tpu.memory_space<vmem>>, vector<1x16xf32>,
      %broadcast_in_dim3A_43 = arith.constant 0.000000e+00 : f32
      %broadcast_in_dim3A_44 = vector.broadcast %broadcast_in_dim3A_43 : f32 to vector<16xf32>
      %swap3A_45 = arith.index_cast %scan3A_29 : i32 to index
      %swap3A_46 = arith.constant 32 : index
      %swap3A_47 = tpu.vector_load %arg10[%swap3A_45, %swap3A_46] {strides = array<i32>} : memref<128x128xf32, #tpu.memory_space<vmem>>, vector<1x16xf32>,
      %swap3A_48 = vector.shape_cast %swap3A_47 : vector<1x16xf32> to vector<16xf32>
      %swap3A_49 = vector.shape_cast %broadcast_in_dim3A_44 : vector<16xf32> to vector<1x16xf32>
      tpu.vector_store %arg10[%swap3A_45, %swap3A_46], %swap3A_49 {strides = array<i32>} : memref<128x128xf32, #tpu.memory_space<vmem>>, vector<1x16xf32>,
      %broadcast_in_dim3A_50 = arith.constant 0.000000e+00 : f32
      %broadcast_in_dim3A_51 = vector.broadcast %broadcast_in_dim3A_50 : f32 to vector<16xf32>
      %swap3A_52 = arith.index_cast %scan3A_29 : i32 to index
      %swap3A_53 = arith.constant 48 : index
      %swap3A_54 = tpu.vector_load %arg10[%swap3A_52, %swap3A_53] {strides = array<i32>} : memref<128x128xf32, #tpu.memory_space<vmem>>, vector<1x16xf32>,
      %swap3A_55 = vector.shape_cast %swap3A_54 : vector<1x16xf32> to vector<16xf32>
      %swap3A_56 = vector.shape_cast %broadcast_in_dim3A_51 : vector<16xf32> to vector<1x16xf32>
      tpu.vector_store %arg10[%swap3A_52, %swap3A_53], %swap3A_56 {strides = array<i32>} : memref<128x128xf32, #tpu.memory_space<vmem>>, vector<1x16xf32>,
      %broadcast_in_dim3A_57 = arith.constant 0.000000e+00 : f32
      %broadcast_in_dim3A_58 = vector.broadcast %broadcast_in_dim3A_57 : f32 to vector<16xf32>
      %swap3A_59 = arith.index_cast %scan3A_29 : i32 to index
      %swap3A_60 = arith.constant 64 : index
      %swap3A_61 = tpu.vector_load %arg10[%swap3A_59, %swap3A_60] {strides = array<i32>} : memref<128x128xf32, #tpu.memory_space<vmem>>, vector<1x16xf32>,
      %swap3A_62 = vector.shape_cast %swap3A_61 : vector<1x16xf32> to vector<16xf32>
      %swap3A_63 = vector.shape_cast %broadcast_in_dim3A_58 : vector<16xf32> to vector<1x16xf32>
      tpu.vector_store %arg10[%swap3A_59, %swap3A_60], %swap3A_63 {strides = array<i32>} : memref<128x128xf32, #tpu.memory_space<vmem>>, vector<1x16xf32>,
      %broadcast_in_dim3A_64 = arith.constant 0.000000e+00 : f32
      %broadcast_in_dim3A_65 = vector.broadcast %broadcast_in_dim3A_64 : f32 to vector<16xf32>
      %swap3A_66 = arith.index_cast %scan3A_29 : i32 to index
      %swap3A_67 = arith.constant 80 : index
      %swap3A_68 = tpu.vector_load %arg10[%swap3A_66, %swap3A_67] {strides = array<i32>} : memref<128x128xf32, #tpu.memory_space<vmem>>, vector<1x16xf32>,
      %swap3A_69 = vector.shape_cast %swap3A_68 : vector<1x16xf32> to vector<16xf32>
      %swap3A_70 = vector.shape_cast %broadcast_in_dim3A_65 : vector<16xf32> to vector<1x16xf32>
      tpu.vector_store %arg10[%swap3A_66, %swap3A_67], %swap3A_70 {strides = array<i32>} : memref<128x128xf32, #tpu.memory_space<vmem>>, vector<1x16xf32>,
      %broadcast_in_dim3A_71 = arith.constant 0.000000e+00 : f32
      %broadcast_in_dim3A_72 = vector.broadcast %broadcast_in_dim3A_71 : f32 to vector<16xf32>
      %swap3A_73 = arith.index_cast %scan3A_29 : i32 to index
      %swap3A_74 = arith.constant 96 : index
      %swap3A_75 = tpu.vector_load %arg10[%swap3A_73, %swap3A_74] {strides = array<i32>} : memref<128x128xf32, #tpu.memory_space<vmem>>, vector<1x16xf32>,
      %swap3A_76 = vector.shape_cast %swap3A_75 : vector<1x16xf32> to vector<16xf32>
      %swap3A_77 = vector.shape_cast %broadcast_in_dim3A_72 : vector<16xf32> to vector<1x16xf32>
      tpu.vector_store %arg10[%swap3A_73, %swap3A_74], %swap3A_77 {strides = array<i32>} : memref<128x128xf32, #tpu.memory_space<vmem>>, vector<1x16xf32>,
      %broadcast_in_dim3A_78 = arith.constant 0.000000e+00 : f32
      %broadcast_in_dim3A_79 = vector.broadcast %broadcast_in_dim3A_78 : f32 to vector<16xf32>
      %swap3A_80 = arith.index_cast %scan3A_29 : i32 to index
      %swap3A_81 = arith.constant 112 : index
      %swap3A_82 = tpu.vector_load %arg10[%swap3A_80, %swap3A_81] {strides = array<i32>} : memref<128x128xf32, #tpu.memory_space<vmem>>, vector<1x16xf32>,
      %swap3A_83 = vector.shape_cast %swap3A_82 : vector<1x16xf32> to vector<16xf32>
      %swap3A_84 = vector.shape_cast %broadcast_in_dim3A_79 : vector<16xf32> to vector<1x16xf32>
      tpu.vector_store %arg10[%swap3A_80, %swap3A_81], %swap3A_84 {strides = array<i32>} : memref<128x128xf32, #tpu.memory_space<vmem>>, vector<1x16xf32>,
      %scan3A_85 = arith.constant 0 : i32
      scf.yield %scan3A_85 : i32
    }
    %scan3A_6 = arith.constant 128 : i32
    %mul3A_7 = arith.constant 640 : i32
    %mul3A_8 = arith.muli %arg1, %mul3A_7 : i32
    %add3A_9 = arith.constant 0 : i32
    %add3A_10 = arith.addi %mul3A_8, %add3A_9 : i32
    "tpu.region"() ({
      %run_scoped3A = tpu.sem_alloc : memref<!tpu.dma_semaphore, #tpu.memory_space<semaphore_mem>>
      %dma_start3A = arith.constant 0 : i32
      %dma_start3A_29 = tpu.memref_slice %arg6[%add3A_10, %dma_start3A] : memref<10240x128xf32, #tpu.memory_space<vmem_shared>> -> memref<128x128xf32, #tpu.memory_space<vmem_shared>>
      %dma_start3A_30 = arith.constant 0 : i32
      %dma_start3A_31 = tpu.memref_slice %arg6[%add3A_10, %dma_start3A_30] : memref<10240x128xf32, #tpu.memory_space<vmem_shared>> -> memref<128x128xf32, #tpu.memory_space<vmem_shared>>
      tpu.enqueue_dma source(%arg10 : memref<128x128xf32, #tpu.memory_space<vmem>>) target(%dma_start3A_31 : memref<128x128xf32, #tpu.memory_space<vmem_shared>>) target_semaphore(%run_scoped3A : memref<!tpu.dma_semaphore, #tpu.memory_space<semaphore_mem>>)
      %dma_wait3A = arith.constant 0 : i32
      %dma_wait3A_32 = tpu.memref_slice %arg6[%add3A_10, %dma_wait3A] : memref<10240x128xf32, #tpu.memory_space<vmem_shared>> -> memref<128x128xf32, #tpu.memory_space<vmem_shared>>
      %dma_wait3A_33 = arith.constant 0 : i32
      %dma_wait3A_34 = tpu.memref_slice %arg6[%add3A_10, %dma_wait3A_33] : memref<10240x128xf32, #tpu.memory_space<vmem_shared>> -> memref<128x128xf32, #tpu.memory_space<vmem_shared>>
      tpu.wait_dma2 semaphore(%run_scoped3A : memref<!tpu.dma_semaphore, #tpu.memory_space<semaphore_mem>>) src(%arg10 : memref<128x128xf32, #tpu.memory_space<vmem>>) dst(%dma_wait3A_34 : memref<128x128xf32, #tpu.memory_space<vmem_shared>>)
      tpu.yield
    }) : () -> ()
    %add3A_11 = arith.constant 128 : i32
    %add3A_12 = arith.addi %mul3A_8, %add3A_11 : i32
    "tpu.region"() ({
      %run_scoped3A = tpu.sem_alloc : memref<!tpu.dma_semaphore, #tpu.memory_space<semaphore_mem>>
      %dma_start3A = arith.constant 0 : i32
      %dma_start3A_29 = tpu.memref_slice %arg6[%add3A_12, %dma_start3A] : memref<10240x128xf32, #tpu.memory_space<vmem_shared>> -> memref<128x128xf32, #tpu.memory_space<vmem_shared>>
      %dma_start3A_30 = arith.constant 0 : i32
      %dma_start3A_31 = tpu.memref_slice %arg6[%add3A_12, %dma_start3A_30] : memref<10240x128xf32, #tpu.memory_space<vmem_shared>> -> memref<128x128xf32, #tpu.memory_space<vmem_shared>>
      tpu.enqueue_dma source(%arg10 : memref<128x128xf32, #tpu.memory_space<vmem>>) target(%dma_start3A_31 : memref<128x128xf32, #tpu.memory_space<vmem_shared>>) target_semaphore(%run_scoped3A : memref<!tpu.dma_semaphore, #tpu.memory_space<semaphore_mem>>)
      %dma_wait3A = arith.constant 0 : i32
      %dma_wait3A_32 = tpu.memref_slice %arg6[%add3A_12, %dma_wait3A] : memref<10240x128xf32, #tpu.memory_space<vmem_shared>> -> memref<128x128xf32, #tpu.memory_space<vmem_shared>>
      %dma_wait3A_33 = arith.constant 0 : i32
      %dma_wait3A_34 = tpu.memref_slice %arg6[%add3A_12, %dma_wait3A_33] : memref<10240x128xf32, #tpu.memory_space<vmem_shared>> -> memref<128x128xf32, #tpu.memory_space<vmem_shared>>
      tpu.wait_dma2 semaphore(%run_scoped3A : memref<!tpu.dma_semaphore, #tpu.memory_space<semaphore_mem>>) src(%arg10 : memref<128x128xf32, #tpu.memory_space<vmem>>) dst(%dma_wait3A_34 : memref<128x128xf32, #tpu.memory_space<vmem_shared>>)
      tpu.yield
    }) : () -> ()
    %add3A_13 = arith.constant 256 : i32
    %add3A_14 = arith.addi %mul3A_8, %add3A_13 : i32
    "tpu.region"() ({
      %run_scoped3A = tpu.sem_alloc : memref<!tpu.dma_semaphore, #tpu.memory_space<semaphore_mem>>
      %dma_start3A = arith.constant 0 : i32
      %dma_start3A_29 = tpu.memref_slice %arg6[%add3A_14, %dma_start3A] : memref<10240x128xf32, #tpu.memory_space<vmem_shared>> -> memref<128x128xf32, #tpu.memory_space<vmem_shared>>
      %dma_start3A_30 = arith.constant 0 : i32
      %dma_start3A_31 = tpu.memref_slice %arg6[%add3A_14, %dma_start3A_30] : memref<10240x128xf32, #tpu.memory_space<vmem_shared>> -> memref<128x128xf32, #tpu.memory_space<vmem_shared>>
      tpu.enqueue_dma source(%arg10 : memref<128x128xf32, #tpu.memory_space<vmem>>) target(%dma_start3A_31 : memref<128x128xf32, #tpu.memory_space<vmem_shared>>) target_semaphore(%run_scoped3A : memref<!tpu.dma_semaphore, #tpu.memory_space<semaphore_mem>>)
      %dma_wait3A = arith.constant 0 : i32
      %dma_wait3A_32 = tpu.memref_slice %arg6[%add3A_14, %dma_wait3A] : memref<10240x128xf32, #tpu.memory_space<vmem_shared>> -> memref<128x128xf32, #tpu.memory_space<vmem_shared>>
      %dma_wait3A_33 = arith.constant 0 : i32
      %dma_wait3A_34 = tpu.memref_slice %arg6[%add3A_14, %dma_wait3A_33] : memref<10240x128xf32, #tpu.memory_space<vmem_shared>> -> memref<128x128xf32, #tpu.memory_space<vmem_shared>>
      tpu.wait_dma2 semaphore(%run_scoped3A : memref<!tpu.dma_semaphore, #tpu.memory_space<semaphore_mem>>) src(%arg10 : memref<128x128xf32, #tpu.memory_space<vmem>>) dst(%dma_wait3A_34 : memref<128x128xf32, #tpu.memory_space<vmem_shared>>)
      tpu.yield
    }) : () -> ()
    %add3A_15 = arith.constant 384 : i32
    %add3A_16 = arith.addi %mul3A_8, %add3A_15 : i32
    "tpu.region"() ({
      %run_scoped3A = tpu.sem_alloc : memref<!tpu.dma_semaphore, #tpu.memory_space<semaphore_mem>>
      %dma_start3A = arith.constant 0 : i32
      %dma_start3A_29 = tpu.memref_slice %arg6[%add3A_16, %dma_start3A] : memref<10240x128xf32, #tpu.memory_space<vmem_shared>> -> memref<128x128xf32, #tpu.memory_space<vmem_shared>>
      %dma_start3A_30 = arith.constant 0 : i32
      %dma_start3A_31 = tpu.memref_slice %arg6[%add3A_16, %dma_start3A_30] : memref<10240x128xf32, #tpu.memory_space<vmem_shared>> -> memref<128x128xf32, #tpu.memory_space<vmem_shared>>
      tpu.enqueue_dma source(%arg10 : memref<128x128xf32, #tpu.memory_space<vmem>>) target(%dma_start3A_31 : memref<128x128xf32, #tpu.memory_space<vmem_shared>>) target_semaphore(%run_scoped3A : memref<!tpu.dma_semaphore, #tpu.memory_space<semaphore_mem>>)
      %dma_wait3A = arith.constant 0 : i32
      %dma_wait3A_32 = tpu.memref_slice %arg6[%add3A_16, %dma_wait3A] : memref<10240x128xf32, #tpu.memory_space<vmem_shared>> -> memref<128x128xf32, #tpu.memory_space<vmem_shared>>
      %dma_wait3A_33 = arith.constant 0 : i32
      %dma_wait3A_34 = tpu.memref_slice %arg6[%add3A_16, %dma_wait3A_33] : memref<10240x128xf32, #tpu.memory_space<vmem_shared>> -> memref<128x128xf32, #tpu.memory_space<vmem_shared>>
      tpu.wait_dma2 semaphore(%run_scoped3A : memref<!tpu.dma_semaphore, #tpu.memory_space<semaphore_mem>>) src(%arg10 : memref<128x128xf32, #tpu.memory_space<vmem>>) dst(%dma_wait3A_34 : memref<128x128xf32, #tpu.memory_space<vmem_shared>>)
      tpu.yield
    }) : () -> ()
    %add3A_17 = arith.constant 512 : i32
    %add3A_18 = arith.addi %mul3A_8, %add3A_17 : i32
    "tpu.region"() ({
      %run_scoped3A = tpu.sem_alloc : memref<!tpu.dma_semaphore, #tpu.memory_space<semaphore_mem>>
      %dma_start3A = arith.constant 0 : i32
      %dma_start3A_29 = tpu.memref_slice %arg6[%add3A_18, %dma_start3A] : memref<10240x128xf32, #tpu.memory_space<vmem_shared>> -> memref<128x128xf32, #tpu.memory_space<vmem_shared>>
      %dma_start3A_30 = arith.constant 0 : i32
      %dma_start3A_31 = tpu.memref_slice %arg6[%add3A_18, %dma_start3A_30] : memref<10240x128xf32, #tpu.memory_space<vmem_shared>> -> memref<128x128xf32, #tpu.memory_space<vmem_shared>>
      tpu.enqueue_dma source(%arg10 : memref<128x128xf32, #tpu.memory_space<vmem>>) target(%dma_start3A_31 : memref<128x128xf32, #tpu.memory_space<vmem_shared>>) target_semaphore(%run_scoped3A : memref<!tpu.dma_semaphore, #tpu.memory_space<semaphore_mem>>)
      %dma_wait3A = arith.constant 0 : i32
      %dma_wait3A_32 = tpu.memref_slice %arg6[%add3A_18, %dma_wait3A] : memref<10240x128xf32, #tpu.memory_space<vmem_shared>> -> memref<128x128xf32, #tpu.memory_space<vmem_shared>>
      %dma_wait3A_33 = arith.constant 0 : i32
      %dma_wait3A_34 = tpu.memref_slice %arg6[%add3A_18, %dma_wait3A_33] : memref<10240x128xf32, #tpu.memory_space<vmem_shared>> -> memref<128x128xf32, #tpu.memory_space<vmem_shared>>
      tpu.wait_dma2 semaphore(%run_scoped3A : memref<!tpu.dma_semaphore, #tpu.memory_space<semaphore_mem>>) src(%arg10 : memref<128x128xf32, #tpu.memory_space<vmem>>) dst(%dma_wait3A_34 : memref<128x128xf32, #tpu.memory_space<vmem_shared>>)
      tpu.yield
    }) : () -> ()
    %barrier3A = arith.constant 0 : index
    tpu.barrier barrier_id(%barrier3A)
    %mul3A_19 = arith.constant 10112 : i32
    %mul3A_20 = arith.muli %add3A, %mul3A_19 : i32
    %scan3A_21 = arith.constant 0 : i32
    %scan3A_22 = arith.constant 0 : i32
    %scan3A_23 = arith.constant 79 : i32
    %scan3A_24 = arith.addi %scan3A_22, %scan3A_23 : i32
    %scan3A_25 = arith.constant 1 : i32
    %scan3A_26 = scf.for %scan3A_29 = %scan3A_22 to %scan3A_24 step %scan3A_25 iter_args(%scan3A_30 = %scan3A_21) -> (i32)  : i32 {
      %mul3A_31 = arith.constant 128 : i32
      %mul3A_32 = arith.muli %scan3A_29, %mul3A_31 : i32
      %add3A_33 = arith.addi %mul3A_20, %mul3A_32 : i32
      "tpu.region"() ({
        %run_scoped3A = tpu.sem_alloc : memref<!tpu.dma_semaphore, #tpu.memory_space<semaphore_mem>>
        %dma_start3A_42 = tpu.memref_slice %arg3[%add3A_33] : memref<323584xi32, #tpu.memory_space<hbm>> -> memref<128xi32, #tpu.memory_space<hbm>>
        %dma_start3A_43 = tpu.memref_slice %arg3[%add3A_33] : memref<323584xi32, #tpu.memory_space<hbm>> -> memref<128xi32, #tpu.memory_space<hbm>>
        tpu.enqueue_dma source(%dma_start3A_43 : memref<128xi32, #tpu.memory_space<hbm>>) target(%arg7 : memref<128xi32, #tpu.memory_space<vmem>>) target_semaphore(%run_scoped3A : memref<!tpu.dma_semaphore, #tpu.memory_space<semaphore_mem>>)
        %dma_wait3A_44 = tpu.memref_slice %arg3[%add3A_33] : memref<323584xi32, #tpu.memory_space<hbm>> -> memref<128xi32, #tpu.memory_space<hbm>>
        %dma_wait3A_45 = tpu.memref_slice %arg3[%add3A_33] : memref<323584xi32, #tpu.memory_space<hbm>> -> memref<128xi32, #tpu.memory_space<hbm>>
        tpu.wait_dma2 semaphore(%run_scoped3A : memref<!tpu.dma_semaphore, #tpu.memory_space<semaphore_mem>>) src(%dma_wait3A_45 : memref<128xi32, #tpu.memory_space<hbm>>) dst(%arg7 : memref<128xi32, #tpu.memory_space<vmem>>)
        tpu.yield
      }) : () -> ()
      %mul3A_34 = arith.constant 128 : i32
      %mul3A_35 = arith.muli %scan3A_29, %mul3A_34 : i32
      %add3A_36 = arith.addi %mul3A_20, %mul3A_35 : i32
      "tpu.region"() ({
        %run_scoped3A = tpu.sem_alloc : memref<!tpu.dma_semaphore, #tpu.memory_space<semaphore_mem>>
        %dma_start3A_42 = tpu.memref_slice %arg4[%add3A_36] : memref<323584xi32, #tpu.memory_space<hbm>> -> memref<128xi32, #tpu.memory_space<hbm>>
        %dma_start3A_43 = tpu.memref_slice %arg4[%add3A_36] : memref<323584xi32, #tpu.memory_space<hbm>> -> memref<128xi32, #tpu.memory_space<hbm>>
        tpu.enqueue_dma source(%dma_start3A_43 : memref<128xi32, #tpu.memory_space<hbm>>) target(%arg8 : memref<128xi32, #tpu.memory_space<vmem>>) target_semaphore(%run_scoped3A : memref<!tpu.dma_semaphore, #tpu.memory_space<semaphore_mem>>)
        %dma_wait3A_44 = tpu.memref_slice %arg4[%add3A_36] : memref<323584xi32, #tpu.memory_space<hbm>> -> memref<128xi32, #tpu.memory_space<hbm>>
        %dma_wait3A_45 = tpu.memref_slice %arg4[%add3A_36] : memref<323584xi32, #tpu.memory_space<hbm>> -> memref<128xi32, #tpu.memory_space<hbm>>
        tpu.wait_dma2 semaphore(%run_scoped3A : memref<!tpu.dma_semaphore, #tpu.memory_space<semaphore_mem>>) src(%dma_wait3A_45 : memref<128xi32, #tpu.memory_space<hbm>>) dst(%arg8 : memref<128xi32, #tpu.memory_space<vmem>>)
        tpu.yield
      }) : () -> ()
      %dma_start3A = arith.constant 0 : i32
      %dma_start3A_37 = arith.constant 0 : i32
      %dma_start3A_38 = tpu.memref_slice %arg2[%dma_start3A, %dma_start3A_37] : memref<10240x128xf32, #tpu.memory_space<hbm>> -> memref<10240x128xf32, #tpu.memory_space<hbm>>
      tpu.enqueue_indirect_dma source(%dma_start3A_38 : memref<10240x128xf32, #tpu.memory_space<hbm>>) target(%arg9 : memref<128x128xf32, #tpu.memory_space<vmem>>) offsets(%arg7 : memref<128xi32, #tpu.memory_space<vmem>>) semaphore(%arg11 : memref<!tpu.dma_semaphore, #tpu.memory_space<semaphore_mem>>)
      %dma_wait3A = arith.constant 0 : i32
      %dma_wait3A_39 = arith.constant 0 : i32
      %dma_wait3A_40 = tpu.memref_slice %arg2[%dma_wait3A, %dma_wait3A_39] : memref<10240x128xf32, #tpu.memory_space<hbm>> -> memref<10240x128xf32, #tpu.memory_space<hbm>>
      tpu.wait_indirect_dma semaphore(%arg11 : memref<!tpu.dma_semaphore, #tpu.memory_space<semaphore_mem>>) src(%dma_wait3A_40 : memref<10240x128xf32, #tpu.memory_space<hbm>>) dst(%arg9 : memref<128x128xf32, #tpu.memory_space<vmem>>)
      "tpu.region"() ({
        %run_scoped3A = tpu.sem_alloc : memref<!tpu.dma_semaphore, #tpu.memory_space<semaphore_mem>>
        %dma_start3A_42 = arith.constant 0 : i32
        %dma_start3A_43 = arith.constant 0 : i32
        %dma_start3A_44 = tpu.memref_slice %arg6[%dma_start3A_42, %dma_start3A_43] : memref<10240x128xf32, #tpu.memory_space<vmem_shared>> -> memref<10240x128xf32, #tpu.memory_space<vmem_shared>>
        tpu.enqueue_indirect_dma source(%arg9 : memref<128x128xf32, #tpu.memory_space<vmem>>) target(%dma_start3A_44 : memref<10240x128xf32, #tpu.memory_space<vmem_shared>>) offsets(%arg8 : memref<128xi32, #tpu.memory_space<vmem>>) semaphore(%run_scoped3A : memref<!tpu.dma_semaphore, #tpu.memory_space<semaphore_mem>>) {add = true}
        %dma_wait3A_45 = arith.constant 0 : i32
        %dma_wait3A_46 = arith.constant 0 : i32
        %dma_wait3A_47 = tpu.memref_slice %arg6[%dma_wait3A_45, %dma_wait3A_46] : memref<10240x128xf32, #tpu.memory_space<vmem_shared>> -> memref<10240x128xf32, #tpu.memory_space<vmem_shared>>
        tpu.wait_indirect_dma semaphore(%run_scoped3A : memref<!tpu.dma_semaphore, #tpu.memory_space<semaphore_mem>>) src(%arg9 : memref<128x128xf32, #tpu.memory_space<vmem>>) dst(%dma_wait3A_47 : memref<10240x128xf32, #tpu.memory_space<vmem_shared>>)
        tpu.yield
      }) : () -> ()
      %scan3A_41 = arith.constant 0 : i32
      scf.yield %scan3A_41 : i32
    }
    %scan3A_27 = arith.constant 79 : i32
    %barrier3A_28 = arith.constant 0 : index
    tpu.barrier barrier_id(%barrier3A_28)
    "tpu.region"() ({
      %run_scoped3A = tpu.sem_alloc : memref<!tpu.dma_semaphore, #tpu.memory_space<semaphore_mem>>
      %dma_start3A = arith.constant 0 : i32
      %dma_start3A_29 = tpu.memref_slice %arg5[%arg0, %mul3A_8, %dma_start3A] : memref<2x10240x128xf32, #tpu.memory_space<hbm>> -> memref<1x640x128xf32, #tpu.memory_space<hbm>>
      %dma_start3A_30 = tpu.memref_squeeze %dma_start3A_29 : memref<1x640x128xf32, #tpu.memory_space<hbm>> -> memref<640x128xf32, #tpu.memory_space<hbm>>
      %dma_start3A_31 = arith.constant 0 : i32
      %dma_start3A_32 = tpu.memref_slice %arg6[%mul3A_8, %dma_start3A_31] : memref<10240x128xf32, #tpu.memory_space<vmem_shared>> -> memref<640x128xf32, #tpu.memory_space<vmem_shared>>
      tpu.enqueue_dma source(%dma_start3A_32 : memref<640x128xf32, #tpu.memory_space<vmem_shared>>) target(%dma_start3A_30 : memref<640x128xf32, #tpu.memory_space<hbm>>) target_semaphore(%run_scoped3A : memref<!tpu.dma_semaphore, #tpu.memory_space<semaphore_mem>>)
      %dma_wait3A = arith.constant 0 : i32
      %dma_wait3A_33 = tpu.memref_slice %arg5[%arg0, %mul3A_8, %dma_wait3A] : memref<2x10240x128xf32, #tpu.memory_space<hbm>> -> memref<1x640x128xf32, #tpu.memory_space<hbm>>
      %dma_wait3A_34 = tpu.memref_squeeze %dma_wait3A_33 : memref<1x640x128xf32, #tpu.memory_space<hbm>> -> memref<640x128xf32, #tpu.memory_space<hbm>>
      %dma_wait3A_35 = arith.constant 0 : i32
      %dma_wait3A_36 = tpu.memref_slice %arg6[%mul3A_8, %dma_wait3A_35] : memref<10240x128xf32, #tpu.memory_space<vmem_shared>> -> memref<640x128xf32, #tpu.memory_space<vmem_shared>>
      tpu.wait_dma2 semaphore(%run_scoped3A : memref<!tpu.dma_semaphore, #tpu.memory_space<semaphore_mem>>) src(%dma_wait3A_36 : memref<640x128xf32, #tpu.memory_space<vmem_shared>>) dst(%dma_wait3A_34 : memref<640x128xf32, #tpu.memory_space<hbm>>)
      tpu.yield
    }) : () -> ()
    return
  }
}

#map = affine_map<(d0, d1) -> (0)>
#map1 = affine_map<(d0, d1) -> (0, 0, 0)>
module attributes {stable_mosaic.version = 14 : i64} {
  func.func @_deg_body(%arg0: i32, %arg1: i32, %arg2: memref<323584xi32, #tpu.memory_space<hbm>>, %arg3: memref<2x10240x16xf32, #tpu.memory_space<hbm>>, %arg4: memref<10240x16xf32, #tpu.memory_space<vmem_shared>>, %arg5: memref<128xi32, #tpu.memory_space<vmem>>, %arg6: memref<128x16xf32, #tpu.memory_space<vmem>>, %arg7: memref<128x16xf32, #tpu.memory_space<vmem>>) attributes {dimension_semantics = [#tpu.dimension_semantics<core_parallel>, #tpu.dimension_semantics<subcore_parallel>], iteration_bounds = array<i64: 2, 16>, scalar_prefetch = 0 : i64, scratch_operands = 4 : i64, tpu.core_type = #tpu.core_type<sc_vector_subcore>, window_params = [{transform_indices = #map}, {transform_indices = #map1}]} {
    %mul3A = arith.constant 2 : i32
    %mul3A_0 = arith.muli %arg1, %mul3A : i32
    %add3A = arith.addi %mul3A_0, %arg0 : i32
    %scan3A = arith.constant 0 : i32
    %scan3A_1 = arith.constant 0 : i32
    %scan3A_2 = arith.constant 128 : i32
    %scan3A_3 = arith.addi %scan3A_1, %scan3A_2 : i32
    %scan3A_4 = arith.constant 1 : i32
    %scan3A_5 = scf.for %scan3A_29 = %scan3A_1 to %scan3A_3 step %scan3A_4 iter_args(%scan3A_30 = %scan3A) -> (i32)  : i32 {
      %broadcast_in_dim3A = arith.constant 1.000000e+00 : f32
      %broadcast_in_dim3A_31 = vector.broadcast %broadcast_in_dim3A : f32 to vector<16xf32>
      %swap3A = arith.index_cast %scan3A_29 : i32 to index
      %swap3A_32 = arith.constant 0 : index
      %swap3A_33 = tpu.vector_load %arg6[%swap3A, %swap3A_32] {strides = array<i32>} : memref<128x16xf32, #tpu.memory_space<vmem>>, vector<1x16xf32>,
      %swap3A_34 = vector.shape_cast %swap3A_33 : vector<1x16xf32> to vector<16xf32>
      %swap3A_35 = vector.shape_cast %broadcast_in_dim3A_31 : vector<16xf32> to vector<1x16xf32>
      tpu.vector_store %arg6[%swap3A, %swap3A_32], %swap3A_35 {strides = array<i32>} : memref<128x16xf32, #tpu.memory_space<vmem>>, vector<1x16xf32>,
      %broadcast_in_dim3A_36 = arith.constant 0.000000e+00 : f32
      %broadcast_in_dim3A_37 = vector.broadcast %broadcast_in_dim3A_36 : f32 to vector<16xf32>
      %swap3A_38 = arith.index_cast %scan3A_29 : i32 to index
      %swap3A_39 = arith.constant 0 : index
      %swap3A_40 = tpu.vector_load %arg7[%swap3A_38, %swap3A_39] {strides = array<i32>} : memref<128x16xf32, #tpu.memory_space<vmem>>, vector<1x16xf32>,
      %swap3A_41 = vector.shape_cast %swap3A_40 : vector<1x16xf32> to vector<16xf32>
      %swap3A_42 = vector.shape_cast %broadcast_in_dim3A_37 : vector<16xf32> to vector<1x16xf32>
      tpu.vector_store %arg7[%swap3A_38, %swap3A_39], %swap3A_42 {strides = array<i32>} : memref<128x16xf32, #tpu.memory_space<vmem>>, vector<1x16xf32>,
      %scan3A_43 = arith.constant 0 : i32
      scf.yield %scan3A_43 : i32
    }
    %scan3A_6 = arith.constant 128 : i32
    %mul3A_7 = arith.constant 640 : i32
    %mul3A_8 = arith.muli %arg1, %mul3A_7 : i32
    %add3A_9 = arith.constant 0 : i32
    %add3A_10 = arith.addi %mul3A_8, %add3A_9 : i32
    "tpu.region"() ({
      %run_scoped3A = tpu.sem_alloc : memref<!tpu.dma_semaphore, #tpu.memory_space<semaphore_mem>>
      %dma_start3A = arith.constant 0 : i32
      %dma_start3A_29 = tpu.memref_slice %arg4[%add3A_10, %dma_start3A] : memref<10240x16xf32, #tpu.memory_space<vmem_shared>> -> memref<128x16xf32, #tpu.memory_space<vmem_shared>>
      %dma_start3A_30 = arith.constant 0 : i32
      %dma_start3A_31 = tpu.memref_slice %arg4[%add3A_10, %dma_start3A_30] : memref<10240x16xf32, #tpu.memory_space<vmem_shared>> -> memref<128x16xf32, #tpu.memory_space<vmem_shared>>
      tpu.enqueue_dma source(%arg7 : memref<128x16xf32, #tpu.memory_space<vmem>>) target(%dma_start3A_31 : memref<128x16xf32, #tpu.memory_space<vmem_shared>>) target_semaphore(%run_scoped3A : memref<!tpu.dma_semaphore, #tpu.memory_space<semaphore_mem>>)
      %dma_wait3A = arith.constant 0 : i32
      %dma_wait3A_32 = tpu.memref_slice %arg4[%add3A_10, %dma_wait3A] : memref<10240x16xf32, #tpu.memory_space<vmem_shared>> -> memref<128x16xf32, #tpu.memory_space<vmem_shared>>
      %dma_wait3A_33 = arith.constant 0 : i32
      %dma_wait3A_34 = tpu.memref_slice %arg4[%add3A_10, %dma_wait3A_33] : memref<10240x16xf32, #tpu.memory_space<vmem_shared>> -> memref<128x16xf32, #tpu.memory_space<vmem_shared>>
      tpu.wait_dma2 semaphore(%run_scoped3A : memref<!tpu.dma_semaphore, #tpu.memory_space<semaphore_mem>>) src(%arg7 : memref<128x16xf32, #tpu.memory_space<vmem>>) dst(%dma_wait3A_34 : memref<128x16xf32, #tpu.memory_space<vmem_shared>>)
      tpu.yield
    }) : () -> ()
    %add3A_11 = arith.constant 128 : i32
    %add3A_12 = arith.addi %mul3A_8, %add3A_11 : i32
    "tpu.region"() ({
      %run_scoped3A = tpu.sem_alloc : memref<!tpu.dma_semaphore, #tpu.memory_space<semaphore_mem>>
      %dma_start3A = arith.constant 0 : i32
      %dma_start3A_29 = tpu.memref_slice %arg4[%add3A_12, %dma_start3A] : memref<10240x16xf32, #tpu.memory_space<vmem_shared>> -> memref<128x16xf32, #tpu.memory_space<vmem_shared>>
      %dma_start3A_30 = arith.constant 0 : i32
      %dma_start3A_31 = tpu.memref_slice %arg4[%add3A_12, %dma_start3A_30] : memref<10240x16xf32, #tpu.memory_space<vmem_shared>> -> memref<128x16xf32, #tpu.memory_space<vmem_shared>>
      tpu.enqueue_dma source(%arg7 : memref<128x16xf32, #tpu.memory_space<vmem>>) target(%dma_start3A_31 : memref<128x16xf32, #tpu.memory_space<vmem_shared>>) target_semaphore(%run_scoped3A : memref<!tpu.dma_semaphore, #tpu.memory_space<semaphore_mem>>)
      %dma_wait3A = arith.constant 0 : i32
      %dma_wait3A_32 = tpu.memref_slice %arg4[%add3A_12, %dma_wait3A] : memref<10240x16xf32, #tpu.memory_space<vmem_shared>> -> memref<128x16xf32, #tpu.memory_space<vmem_shared>>
      %dma_wait3A_33 = arith.constant 0 : i32
      %dma_wait3A_34 = tpu.memref_slice %arg4[%add3A_12, %dma_wait3A_33] : memref<10240x16xf32, #tpu.memory_space<vmem_shared>> -> memref<128x16xf32, #tpu.memory_space<vmem_shared>>
      tpu.wait_dma2 semaphore(%run_scoped3A : memref<!tpu.dma_semaphore, #tpu.memory_space<semaphore_mem>>) src(%arg7 : memref<128x16xf32, #tpu.memory_space<vmem>>) dst(%dma_wait3A_34 : memref<128x16xf32, #tpu.memory_space<vmem_shared>>)
      tpu.yield
    }) : () -> ()
    %add3A_13 = arith.constant 256 : i32
    %add3A_14 = arith.addi %mul3A_8, %add3A_13 : i32
    "tpu.region"() ({
      %run_scoped3A = tpu.sem_alloc : memref<!tpu.dma_semaphore, #tpu.memory_space<semaphore_mem>>
      %dma_start3A = arith.constant 0 : i32
      %dma_start3A_29 = tpu.memref_slice %arg4[%add3A_14, %dma_start3A] : memref<10240x16xf32, #tpu.memory_space<vmem_shared>> -> memref<128x16xf32, #tpu.memory_space<vmem_shared>>
      %dma_start3A_30 = arith.constant 0 : i32
      %dma_start3A_31 = tpu.memref_slice %arg4[%add3A_14, %dma_start3A_30] : memref<10240x16xf32, #tpu.memory_space<vmem_shared>> -> memref<128x16xf32, #tpu.memory_space<vmem_shared>>
      tpu.enqueue_dma source(%arg7 : memref<128x16xf32, #tpu.memory_space<vmem>>) target(%dma_start3A_31 : memref<128x16xf32, #tpu.memory_space<vmem_shared>>) target_semaphore(%run_scoped3A : memref<!tpu.dma_semaphore, #tpu.memory_space<semaphore_mem>>)
      %dma_wait3A = arith.constant 0 : i32
      %dma_wait3A_32 = tpu.memref_slice %arg4[%add3A_14, %dma_wait3A] : memref<10240x16xf32, #tpu.memory_space<vmem_shared>> -> memref<128x16xf32, #tpu.memory_space<vmem_shared>>
      %dma_wait3A_33 = arith.constant 0 : i32
      %dma_wait3A_34 = tpu.memref_slice %arg4[%add3A_14, %dma_wait3A_33] : memref<10240x16xf32, #tpu.memory_space<vmem_shared>> -> memref<128x16xf32, #tpu.memory_space<vmem_shared>>
      tpu.wait_dma2 semaphore(%run_scoped3A : memref<!tpu.dma_semaphore, #tpu.memory_space<semaphore_mem>>) src(%arg7 : memref<128x16xf32, #tpu.memory_space<vmem>>) dst(%dma_wait3A_34 : memref<128x16xf32, #tpu.memory_space<vmem_shared>>)
      tpu.yield
    }) : () -> ()
    %add3A_15 = arith.constant 384 : i32
    %add3A_16 = arith.addi %mul3A_8, %add3A_15 : i32
    "tpu.region"() ({
      %run_scoped3A = tpu.sem_alloc : memref<!tpu.dma_semaphore, #tpu.memory_space<semaphore_mem>>
      %dma_start3A = arith.constant 0 : i32
      %dma_start3A_29 = tpu.memref_slice %arg4[%add3A_16, %dma_start3A] : memref<10240x16xf32, #tpu.memory_space<vmem_shared>> -> memref<128x16xf32, #tpu.memory_space<vmem_shared>>
      %dma_start3A_30 = arith.constant 0 : i32
      %dma_start3A_31 = tpu.memref_slice %arg4[%add3A_16, %dma_start3A_30] : memref<10240x16xf32, #tpu.memory_space<vmem_shared>> -> memref<128x16xf32, #tpu.memory_space<vmem_shared>>
      tpu.enqueue_dma source(%arg7 : memref<128x16xf32, #tpu.memory_space<vmem>>) target(%dma_start3A_31 : memref<128x16xf32, #tpu.memory_space<vmem_shared>>) target_semaphore(%run_scoped3A : memref<!tpu.dma_semaphore, #tpu.memory_space<semaphore_mem>>)
      %dma_wait3A = arith.constant 0 : i32
      %dma_wait3A_32 = tpu.memref_slice %arg4[%add3A_16, %dma_wait3A] : memref<10240x16xf32, #tpu.memory_space<vmem_shared>> -> memref<128x16xf32, #tpu.memory_space<vmem_shared>>
      %dma_wait3A_33 = arith.constant 0 : i32
      %dma_wait3A_34 = tpu.memref_slice %arg4[%add3A_16, %dma_wait3A_33] : memref<10240x16xf32, #tpu.memory_space<vmem_shared>> -> memref<128x16xf32, #tpu.memory_space<vmem_shared>>
      tpu.wait_dma2 semaphore(%run_scoped3A : memref<!tpu.dma_semaphore, #tpu.memory_space<semaphore_mem>>) src(%arg7 : memref<128x16xf32, #tpu.memory_space<vmem>>) dst(%dma_wait3A_34 : memref<128x16xf32, #tpu.memory_space<vmem_shared>>)
      tpu.yield
    }) : () -> ()
    %add3A_17 = arith.constant 512 : i32
    %add3A_18 = arith.addi %mul3A_8, %add3A_17 : i32
    "tpu.region"() ({
      %run_scoped3A = tpu.sem_alloc : memref<!tpu.dma_semaphore, #tpu.memory_space<semaphore_mem>>
      %dma_start3A = arith.constant 0 : i32
      %dma_start3A_29 = tpu.memref_slice %arg4[%add3A_18, %dma_start3A] : memref<10240x16xf32, #tpu.memory_space<vmem_shared>> -> memref<128x16xf32, #tpu.memory_space<vmem_shared>>
      %dma_start3A_30 = arith.constant 0 : i32
      %dma_start3A_31 = tpu.memref_slice %arg4[%add3A_18, %dma_start3A_30] : memref<10240x16xf32, #tpu.memory_space<vmem_shared>> -> memref<128x16xf32, #tpu.memory_space<vmem_shared>>
      tpu.enqueue_dma source(%arg7 : memref<128x16xf32, #tpu.memory_space<vmem>>) target(%dma_start3A_31 : memref<128x16xf32, #tpu.memory_space<vmem_shared>>) target_semaphore(%run_scoped3A : memref<!tpu.dma_semaphore, #tpu.memory_space<semaphore_mem>>)
      %dma_wait3A = arith.constant 0 : i32
      %dma_wait3A_32 = tpu.memref_slice %arg4[%add3A_18, %dma_wait3A] : memref<10240x16xf32, #tpu.memory_space<vmem_shared>> -> memref<128x16xf32, #tpu.memory_space<vmem_shared>>
      %dma_wait3A_33 = arith.constant 0 : i32
      %dma_wait3A_34 = tpu.memref_slice %arg4[%add3A_18, %dma_wait3A_33] : memref<10240x16xf32, #tpu.memory_space<vmem_shared>> -> memref<128x16xf32, #tpu.memory_space<vmem_shared>>
      tpu.wait_dma2 semaphore(%run_scoped3A : memref<!tpu.dma_semaphore, #tpu.memory_space<semaphore_mem>>) src(%arg7 : memref<128x16xf32, #tpu.memory_space<vmem>>) dst(%dma_wait3A_34 : memref<128x16xf32, #tpu.memory_space<vmem_shared>>)
      tpu.yield
    }) : () -> ()
    %barrier3A = arith.constant 0 : index
    tpu.barrier barrier_id(%barrier3A)
    %mul3A_19 = arith.constant 10112 : i32
    %mul3A_20 = arith.muli %add3A, %mul3A_19 : i32
    %scan3A_21 = arith.constant 0 : i32
    %scan3A_22 = arith.constant 0 : i32
    %scan3A_23 = arith.constant 79 : i32
    %scan3A_24 = arith.addi %scan3A_22, %scan3A_23 : i32
    %scan3A_25 = arith.constant 1 : i32
    %scan3A_26 = scf.for %scan3A_29 = %scan3A_22 to %scan3A_24 step %scan3A_25 iter_args(%scan3A_30 = %scan3A_21) -> (i32)  : i32 {
      %mul3A_31 = arith.constant 128 : i32
      %mul3A_32 = arith.muli %scan3A_29, %mul3A_31 : i32
      %add3A_33 = arith.addi %mul3A_20, %mul3A_32 : i32
      "tpu.region"() ({
        %run_scoped3A = tpu.sem_alloc : memref<!tpu.dma_semaphore, #tpu.memory_space<semaphore_mem>>
        %dma_start3A = tpu.memref_slice %arg2[%add3A_33] : memref<323584xi32, #tpu.memory_space<hbm>> -> memref<128xi32, #tpu.memory_space<hbm>>
        %dma_start3A_35 = tpu.memref_slice %arg2[%add3A_33] : memref<323584xi32, #tpu.memory_space<hbm>> -> memref<128xi32, #tpu.memory_space<hbm>>
        tpu.enqueue_dma source(%dma_start3A_35 : memref<128xi32, #tpu.memory_space<hbm>>) target(%arg5 : memref<128xi32, #tpu.memory_space<vmem>>) target_semaphore(%run_scoped3A : memref<!tpu.dma_semaphore, #tpu.memory_space<semaphore_mem>>)
        %dma_wait3A = tpu.memref_slice %arg2[%add3A_33] : memref<323584xi32, #tpu.memory_space<hbm>> -> memref<128xi32, #tpu.memory_space<hbm>>
        %dma_wait3A_36 = tpu.memref_slice %arg2[%add3A_33] : memref<323584xi32, #tpu.memory_space<hbm>> -> memref<128xi32, #tpu.memory_space<hbm>>
        tpu.wait_dma2 semaphore(%run_scoped3A : memref<!tpu.dma_semaphore, #tpu.memory_space<semaphore_mem>>) src(%dma_wait3A_36 : memref<128xi32, #tpu.memory_space<hbm>>) dst(%arg5 : memref<128xi32, #tpu.memory_space<vmem>>)
        tpu.yield
      }) : () -> ()
      "tpu.region"() ({
        %run_scoped3A = tpu.sem_alloc : memref<!tpu.dma_semaphore, #tpu.memory_space<semaphore_mem>>
        %dma_start3A = arith.constant 0 : i32
        %dma_start3A_35 = arith.constant 0 : i32
        %dma_start3A_36 = tpu.memref_slice %arg4[%dma_start3A, %dma_start3A_35] : memref<10240x16xf32, #tpu.memory_space<vmem_shared>> -> memref<10240x16xf32, #tpu.memory_space<vmem_shared>>
        tpu.enqueue_indirect_dma source(%arg6 : memref<128x16xf32, #tpu.memory_space<vmem>>) target(%dma_start3A_36 : memref<10240x16xf32, #tpu.memory_space<vmem_shared>>) offsets(%arg5 : memref<128xi32, #tpu.memory_space<vmem>>) semaphore(%run_scoped3A : memref<!tpu.dma_semaphore, #tpu.memory_space<semaphore_mem>>) {add = true}
        %dma_wait3A = arith.constant 0 : i32
        %dma_wait3A_37 = arith.constant 0 : i32
        %dma_wait3A_38 = tpu.memref_slice %arg4[%dma_wait3A, %dma_wait3A_37] : memref<10240x16xf32, #tpu.memory_space<vmem_shared>> -> memref<10240x16xf32, #tpu.memory_space<vmem_shared>>
        tpu.wait_indirect_dma semaphore(%run_scoped3A : memref<!tpu.dma_semaphore, #tpu.memory_space<semaphore_mem>>) src(%arg6 : memref<128x16xf32, #tpu.memory_space<vmem>>) dst(%dma_wait3A_38 : memref<10240x16xf32, #tpu.memory_space<vmem_shared>>)
        tpu.yield
      }) : () -> ()
      %scan3A_34 = arith.constant 0 : i32
      scf.yield %scan3A_34 : i32
    }
    %scan3A_27 = arith.constant 79 : i32
    %barrier3A_28 = arith.constant 0 : index
    tpu.barrier barrier_id(%barrier3A_28)
    "tpu.region"() ({
      %run_scoped3A = tpu.sem_alloc : memref<!tpu.dma_semaphore, #tpu.memory_space<semaphore_mem>>
      %dma_start3A = arith.constant 0 : i32
      %dma_start3A_29 = tpu.memref_slice %arg3[%arg0, %mul3A_8, %dma_start3A] : memref<2x10240x16xf32, #tpu.memory_space<hbm>> -> memref<1x640x16xf32, #tpu.memory_space<hbm>>
      %dma_start3A_30 = tpu.memref_squeeze %dma_start3A_29 : memref<1x640x16xf32, #tpu.memory_space<hbm>> -> memref<640x16xf32, #tpu.memory_space<hbm>>
      %dma_start3A_31 = arith.constant 0 : i32
      %dma_start3A_32 = tpu.memref_slice %arg4[%mul3A_8, %dma_start3A_31] : memref<10240x16xf32, #tpu.memory_space<vmem_shared>> -> memref<640x16xf32, #tpu.memory_space<vmem_shared>>
      tpu.enqueue_dma source(%dma_start3A_32 : memref<640x16xf32, #tpu.memory_space<vmem_shared>>) target(%dma_start3A_30 : memref<640x16xf32, #tpu.memory_space<hbm>>) target_semaphore(%run_scoped3A : memref<!tpu.dma_semaphore, #tpu.memory_space<semaphore_mem>>)
      %dma_wait3A = arith.constant 0 : i32
      %dma_wait3A_33 = tpu.memref_slice %arg3[%arg0, %mul3A_8, %dma_wait3A] : memref<2x10240x16xf32, #tpu.memory_space<hbm>> -> memref<1x640x16xf32, #tpu.memory_space<hbm>>
      %dma_wait3A_34 = tpu.memref_squeeze %dma_wait3A_33 : memref<1x640x16xf32, #tpu.memory_space<hbm>> -> memref<640x16xf32, #tpu.memory_space<hbm>>
      %dma_wait3A_35 = arith.constant 0 : i32
      %dma_wait3A_36 = tpu.memref_slice %arg4[%mul3A_8, %dma_wait3A_35] : memref<10240x16xf32, #tpu.memory_space<vmem_shared>> -> memref<640x16xf32, #tpu.memory_space<vmem_shared>>
      tpu.wait_dma2 semaphore(%run_scoped3A : memref<!tpu.dma_semaphore, #tpu.memory_space<semaphore_mem>>) src(%dma_wait3A_36 : memref<640x16xf32, #tpu.memory_space<vmem_shared>>) dst(%dma_wait3A_34 : memref<640x16xf32, #tpu.memory_space<hbm>>)
      tpu.yield
    }) : () -> ()
    return
  }
}

#map = affine_map<(d0, d1) -> (0, 0)>
#map1 = affine_map<(d0, d1) -> (0)>
#map2 = affine_map<(d0, d1) -> (0, 0, 0)>
module attributes {stable_mosaic.version = 14 : i64} {
  func.func @_agg_body(%arg0: i32, %arg1: i32, %arg2: memref<10240x128xf32, #tpu.memory_space<hbm>>, %arg3: memref<323584xi32, #tpu.memory_space<hbm>>, %arg4: memref<323584xi32, #tpu.memory_space<hbm>>, %arg5: memref<2x10240x128xf32, #tpu.memory_space<hbm>>, %arg6: memref<10240x128xf32, #tpu.memory_space<vmem_shared>>, %arg7: memref<128xi32, #tpu.memory_space<vmem>>, %arg8: memref<128xi32, #tpu.memory_space<vmem>>, %arg9: memref<128x128xf32, #tpu.memory_space<vmem>>, %arg10: memref<128x128xf32, #tpu.memory_space<vmem>>, %arg11: memref<!tpu.dma_semaphore, #tpu.memory_space<semaphore_mem>>) attributes {dimension_semantics = [#tpu.dimension_semantics<core_parallel>, #tpu.dimension_semantics<subcore_parallel>], iteration_bounds = array<i64: 2, 16>, scalar_prefetch = 0 : i64, scratch_operands = 6 : i64, tpu.core_type = #tpu.core_type<sc_vector_subcore>, window_params = [{transform_indices = #map}, {transform_indices = #map1}, {transform_indices = #map1}, {transform_indices = #map2}]} {
    %mul3A = arith.constant 2 : i32
    %mul3A_0 = arith.muli %arg1, %mul3A : i32
    %add3A = arith.addi %mul3A_0, %arg0 : i32
    %scan3A = arith.constant 0 : i32
    %scan3A_1 = arith.constant 0 : i32
    %scan3A_2 = arith.constant 128 : i32
    %scan3A_3 = arith.addi %scan3A_1, %scan3A_2 : i32
    %scan3A_4 = arith.constant 1 : i32
    %scan3A_5 = scf.for %scan3A_29 = %scan3A_1 to %scan3A_3 step %scan3A_4 iter_args(%scan3A_30 = %scan3A) -> (i32)  : i32 {
      %broadcast_in_dim3A = arith.constant 0.000000e+00 : f32
      %broadcast_in_dim3A_31 = vector.broadcast %broadcast_in_dim3A : f32 to vector<16xf32>
      %swap3A = arith.index_cast %scan3A_29 : i32 to index
      %swap3A_32 = arith.constant 0 : index
      %swap3A_33 = tpu.vector_load %arg10[%swap3A, %swap3A_32] {strides = array<i32>} : memref<128x128xf32, #tpu.memory_space<vmem>>, vector<1x16xf32>,
      %swap3A_34 = vector.shape_cast %swap3A_33 : vector<1x16xf32> to vector<16xf32>
      %swap3A_35 = vector.shape_cast %broadcast_in_dim3A_31 : vector<16xf32> to vector<1x16xf32>
      tpu.vector_store %arg10[%swap3A, %swap3A_32], %swap3A_35 {strides = array<i32>} : memref<128x128xf32, #tpu.memory_space<vmem>>, vector<1x16xf32>,
      %broadcast_in_dim3A_36 = arith.constant 0.000000e+00 : f32
      %broadcast_in_dim3A_37 = vector.broadcast %broadcast_in_dim3A_36 : f32 to vector<16xf32>
      %swap3A_38 = arith.index_cast %scan3A_29 : i32 to index
      %swap3A_39 = arith.constant 16 : index
      %swap3A_40 = tpu.vector_load %arg10[%swap3A_38, %swap3A_39] {strides = array<i32>} : memref<128x128xf32, #tpu.memory_space<vmem>>, vector<1x16xf32>,
      %swap3A_41 = vector.shape_cast %swap3A_40 : vector<1x16xf32> to vector<16xf32>
      %swap3A_42 = vector.shape_cast %broadcast_in_dim3A_37 : vector<16xf32> to vector<1x16xf32>
      tpu.vector_store %arg10[%swap3A_38, %swap3A_39], %swap3A_42 {strides = array<i32>} : memref<128x128xf32, #tpu.memory_space<vmem>>, vector<1x16xf32>,
      %broadcast_in_dim3A_43 = arith.constant 0.000000e+00 : f32
      %broadcast_in_dim3A_44 = vector.broadcast %broadcast_in_dim3A_43 : f32 to vector<16xf32>
      %swap3A_45 = arith.index_cast %scan3A_29 : i32 to index
      %swap3A_46 = arith.constant 32 : index
      %swap3A_47 = tpu.vector_load %arg10[%swap3A_45, %swap3A_46] {strides = array<i32>} : memref<128x128xf32, #tpu.memory_space<vmem>>, vector<1x16xf32>,
      %swap3A_48 = vector.shape_cast %swap3A_47 : vector<1x16xf32> to vector<16xf32>
      %swap3A_49 = vector.shape_cast %broadcast_in_dim3A_44 : vector<16xf32> to vector<1x16xf32>
      tpu.vector_store %arg10[%swap3A_45, %swap3A_46], %swap3A_49 {strides = array<i32>} : memref<128x128xf32, #tpu.memory_space<vmem>>, vector<1x16xf32>,
      %broadcast_in_dim3A_50 = arith.constant 0.000000e+00 : f32
      %broadcast_in_dim3A_51 = vector.broadcast %broadcast_in_dim3A_50 : f32 to vector<16xf32>
      %swap3A_52 = arith.index_cast %scan3A_29 : i32 to index
      %swap3A_53 = arith.constant 48 : index
      %swap3A_54 = tpu.vector_load %arg10[%swap3A_52, %swap3A_53] {strides = array<i32>} : memref<128x128xf32, #tpu.memory_space<vmem>>, vector<1x16xf32>,
      %swap3A_55 = vector.shape_cast %swap3A_54 : vector<1x16xf32> to vector<16xf32>
      %swap3A_56 = vector.shape_cast %broadcast_in_dim3A_51 : vector<16xf32> to vector<1x16xf32>
      tpu.vector_store %arg10[%swap3A_52, %swap3A_53], %swap3A_56 {strides = array<i32>} : memref<128x128xf32, #tpu.memory_space<vmem>>, vector<1x16xf32>,
      %broadcast_in_dim3A_57 = arith.constant 0.000000e+00 : f32
      %broadcast_in_dim3A_58 = vector.broadcast %broadcast_in_dim3A_57 : f32 to vector<16xf32>
      %swap3A_59 = arith.index_cast %scan3A_29 : i32 to index
      %swap3A_60 = arith.constant 64 : index
      %swap3A_61 = tpu.vector_load %arg10[%swap3A_59, %swap3A_60] {strides = array<i32>} : memref<128x128xf32, #tpu.memory_space<vmem>>, vector<1x16xf32>,
      %swap3A_62 = vector.shape_cast %swap3A_61 : vector<1x16xf32> to vector<16xf32>
      %swap3A_63 = vector.shape_cast %broadcast_in_dim3A_58 : vector<16xf32> to vector<1x16xf32>
      tpu.vector_store %arg10[%swap3A_59, %swap3A_60], %swap3A_63 {strides = array<i32>} : memref<128x128xf32, #tpu.memory_space<vmem>>, vector<1x16xf32>,
      %broadcast_in_dim3A_64 = arith.constant 0.000000e+00 : f32
      %broadcast_in_dim3A_65 = vector.broadcast %broadcast_in_dim3A_64 : f32 to vector<16xf32>
      %swap3A_66 = arith.index_cast %scan3A_29 : i32 to index
      %swap3A_67 = arith.constant 80 : index
      %swap3A_68 = tpu.vector_load %arg10[%swap3A_66, %swap3A_67] {strides = array<i32>} : memref<128x128xf32, #tpu.memory_space<vmem>>, vector<1x16xf32>,
      %swap3A_69 = vector.shape_cast %swap3A_68 : vector<1x16xf32> to vector<16xf32>
      %swap3A_70 = vector.shape_cast %broadcast_in_dim3A_65 : vector<16xf32> to vector<1x16xf32>
      tpu.vector_store %arg10[%swap3A_66, %swap3A_67], %swap3A_70 {strides = array<i32>} : memref<128x128xf32, #tpu.memory_space<vmem>>, vector<1x16xf32>,
      %broadcast_in_dim3A_71 = arith.constant 0.000000e+00 : f32
      %broadcast_in_dim3A_72 = vector.broadcast %broadcast_in_dim3A_71 : f32 to vector<16xf32>
      %swap3A_73 = arith.index_cast %scan3A_29 : i32 to index
      %swap3A_74 = arith.constant 96 : index
      %swap3A_75 = tpu.vector_load %arg10[%swap3A_73, %swap3A_74] {strides = array<i32>} : memref<128x128xf32, #tpu.memory_space<vmem>>, vector<1x16xf32>,
      %swap3A_76 = vector.shape_cast %swap3A_75 : vector<1x16xf32> to vector<16xf32>
      %swap3A_77 = vector.shape_cast %broadcast_in_dim3A_72 : vector<16xf32> to vector<1x16xf32>
      tpu.vector_store %arg10[%swap3A_73, %swap3A_74], %swap3A_77 {strides = array<i32>} : memref<128x128xf32, #tpu.memory_space<vmem>>, vector<1x16xf32>,
      %broadcast_in_dim3A_78 = arith.constant 0.000000e+00 : f32
      %broadcast_in_dim3A_79 = vector.broadcast %broadcast_in_dim3A_78 : f32 to vector<16xf32>
      %swap3A_80 = arith.index_cast %scan3A_29 : i32 to index
      %swap3A_81 = arith.constant 112 : index
      %swap3A_82 = tpu.vector_load %arg10[%swap3A_80, %swap3A_81] {strides = array<i32>} : memref<128x128xf32, #tpu.memory_space<vmem>>, vector<1x16xf32>,
      %swap3A_83 = vector.shape_cast %swap3A_82 : vector<1x16xf32> to vector<16xf32>
      %swap3A_84 = vector.shape_cast %broadcast_in_dim3A_79 : vector<16xf32> to vector<1x16xf32>
      tpu.vector_store %arg10[%swap3A_80, %swap3A_81], %swap3A_84 {strides = array<i32>} : memref<128x128xf32, #tpu.memory_space<vmem>>, vector<1x16xf32>,
      %scan3A_85 = arith.constant 0 : i32
      scf.yield %scan3A_85 : i32
    }
    %scan3A_6 = arith.constant 128 : i32
    %mul3A_7 = arith.constant 640 : i32
    %mul3A_8 = arith.muli %arg1, %mul3A_7 : i32
    %add3A_9 = arith.constant 0 : i32
    %add3A_10 = arith.addi %mul3A_8, %add3A_9 : i32
    "tpu.region"() ({
      %run_scoped3A = tpu.sem_alloc : memref<!tpu.dma_semaphore, #tpu.memory_space<semaphore_mem>>
      %dma_start3A = arith.constant 0 : i32
      %dma_start3A_29 = tpu.memref_slice %arg6[%add3A_10, %dma_start3A] : memref<10240x128xf32, #tpu.memory_space<vmem_shared>> -> memref<128x128xf32, #tpu.memory_space<vmem_shared>>
      %dma_start3A_30 = arith.constant 0 : i32
      %dma_start3A_31 = tpu.memref_slice %arg6[%add3A_10, %dma_start3A_30] : memref<10240x128xf32, #tpu.memory_space<vmem_shared>> -> memref<128x128xf32, #tpu.memory_space<vmem_shared>>
      tpu.enqueue_dma source(%arg10 : memref<128x128xf32, #tpu.memory_space<vmem>>) target(%dma_start3A_31 : memref<128x128xf32, #tpu.memory_space<vmem_shared>>) target_semaphore(%run_scoped3A : memref<!tpu.dma_semaphore, #tpu.memory_space<semaphore_mem>>)
      %dma_wait3A = arith.constant 0 : i32
      %dma_wait3A_32 = tpu.memref_slice %arg6[%add3A_10, %dma_wait3A] : memref<10240x128xf32, #tpu.memory_space<vmem_shared>> -> memref<128x128xf32, #tpu.memory_space<vmem_shared>>
      %dma_wait3A_33 = arith.constant 0 : i32
      %dma_wait3A_34 = tpu.memref_slice %arg6[%add3A_10, %dma_wait3A_33] : memref<10240x128xf32, #tpu.memory_space<vmem_shared>> -> memref<128x128xf32, #tpu.memory_space<vmem_shared>>
      tpu.wait_dma2 semaphore(%run_scoped3A : memref<!tpu.dma_semaphore, #tpu.memory_space<semaphore_mem>>) src(%arg10 : memref<128x128xf32, #tpu.memory_space<vmem>>) dst(%dma_wait3A_34 : memref<128x128xf32, #tpu.memory_space<vmem_shared>>)
      tpu.yield
    }) : () -> ()
    %add3A_11 = arith.constant 128 : i32
    %add3A_12 = arith.addi %mul3A_8, %add3A_11 : i32
    "tpu.region"() ({
      %run_scoped3A = tpu.sem_alloc : memref<!tpu.dma_semaphore, #tpu.memory_space<semaphore_mem>>
      %dma_start3A = arith.constant 0 : i32
      %dma_start3A_29 = tpu.memref_slice %arg6[%add3A_12, %dma_start3A] : memref<10240x128xf32, #tpu.memory_space<vmem_shared>> -> memref<128x128xf32, #tpu.memory_space<vmem_shared>>
      %dma_start3A_30 = arith.constant 0 : i32
      %dma_start3A_31 = tpu.memref_slice %arg6[%add3A_12, %dma_start3A_30] : memref<10240x128xf32, #tpu.memory_space<vmem_shared>> -> memref<128x128xf32, #tpu.memory_space<vmem_shared>>
      tpu.enqueue_dma source(%arg10 : memref<128x128xf32, #tpu.memory_space<vmem>>) target(%dma_start3A_31 : memref<128x128xf32, #tpu.memory_space<vmem_shared>>) target_semaphore(%run_scoped3A : memref<!tpu.dma_semaphore, #tpu.memory_space<semaphore_mem>>)
      %dma_wait3A = arith.constant 0 : i32
      %dma_wait3A_32 = tpu.memref_slice %arg6[%add3A_12, %dma_wait3A] : memref<10240x128xf32, #tpu.memory_space<vmem_shared>> -> memref<128x128xf32, #tpu.memory_space<vmem_shared>>
      %dma_wait3A_33 = arith.constant 0 : i32
      %dma_wait3A_34 = tpu.memref_slice %arg6[%add3A_12, %dma_wait3A_33] : memref<10240x128xf32, #tpu.memory_space<vmem_shared>> -> memref<128x128xf32, #tpu.memory_space<vmem_shared>>
      tpu.wait_dma2 semaphore(%run_scoped3A : memref<!tpu.dma_semaphore, #tpu.memory_space<semaphore_mem>>) src(%arg10 : memref<128x128xf32, #tpu.memory_space<vmem>>) dst(%dma_wait3A_34 : memref<128x128xf32, #tpu.memory_space<vmem_shared>>)
      tpu.yield
    }) : () -> ()
    %add3A_13 = arith.constant 256 : i32
    %add3A_14 = arith.addi %mul3A_8, %add3A_13 : i32
    "tpu.region"() ({
      %run_scoped3A = tpu.sem_alloc : memref<!tpu.dma_semaphore, #tpu.memory_space<semaphore_mem>>
      %dma_start3A = arith.constant 0 : i32
      %dma_start3A_29 = tpu.memref_slice %arg6[%add3A_14, %dma_start3A] : memref<10240x128xf32, #tpu.memory_space<vmem_shared>> -> memref<128x128xf32, #tpu.memory_space<vmem_shared>>
      %dma_start3A_30 = arith.constant 0 : i32
      %dma_start3A_31 = tpu.memref_slice %arg6[%add3A_14, %dma_start3A_30] : memref<10240x128xf32, #tpu.memory_space<vmem_shared>> -> memref<128x128xf32, #tpu.memory_space<vmem_shared>>
      tpu.enqueue_dma source(%arg10 : memref<128x128xf32, #tpu.memory_space<vmem>>) target(%dma_start3A_31 : memref<128x128xf32, #tpu.memory_space<vmem_shared>>) target_semaphore(%run_scoped3A : memref<!tpu.dma_semaphore, #tpu.memory_space<semaphore_mem>>)
      %dma_wait3A = arith.constant 0 : i32
      %dma_wait3A_32 = tpu.memref_slice %arg6[%add3A_14, %dma_wait3A] : memref<10240x128xf32, #tpu.memory_space<vmem_shared>> -> memref<128x128xf32, #tpu.memory_space<vmem_shared>>
      %dma_wait3A_33 = arith.constant 0 : i32
      %dma_wait3A_34 = tpu.memref_slice %arg6[%add3A_14, %dma_wait3A_33] : memref<10240x128xf32, #tpu.memory_space<vmem_shared>> -> memref<128x128xf32, #tpu.memory_space<vmem_shared>>
      tpu.wait_dma2 semaphore(%run_scoped3A : memref<!tpu.dma_semaphore, #tpu.memory_space<semaphore_mem>>) src(%arg10 : memref<128x128xf32, #tpu.memory_space<vmem>>) dst(%dma_wait3A_34 : memref<128x128xf32, #tpu.memory_space<vmem_shared>>)
      tpu.yield
    }) : () -> ()
    %add3A_15 = arith.constant 384 : i32
    %add3A_16 = arith.addi %mul3A_8, %add3A_15 : i32
    "tpu.region"() ({
      %run_scoped3A = tpu.sem_alloc : memref<!tpu.dma_semaphore, #tpu.memory_space<semaphore_mem>>
      %dma_start3A = arith.constant 0 : i32
      %dma_start3A_29 = tpu.memref_slice %arg6[%add3A_16, %dma_start3A] : memref<10240x128xf32, #tpu.memory_space<vmem_shared>> -> memref<128x128xf32, #tpu.memory_space<vmem_shared>>
      %dma_start3A_30 = arith.constant 0 : i32
      %dma_start3A_31 = tpu.memref_slice %arg6[%add3A_16, %dma_start3A_30] : memref<10240x128xf32, #tpu.memory_space<vmem_shared>> -> memref<128x128xf32, #tpu.memory_space<vmem_shared>>
      tpu.enqueue_dma source(%arg10 : memref<128x128xf32, #tpu.memory_space<vmem>>) target(%dma_start3A_31 : memref<128x128xf32, #tpu.memory_space<vmem_shared>>) target_semaphore(%run_scoped3A : memref<!tpu.dma_semaphore, #tpu.memory_space<semaphore_mem>>)
      %dma_wait3A = arith.constant 0 : i32
      %dma_wait3A_32 = tpu.memref_slice %arg6[%add3A_16, %dma_wait3A] : memref<10240x128xf32, #tpu.memory_space<vmem_shared>> -> memref<128x128xf32, #tpu.memory_space<vmem_shared>>
      %dma_wait3A_33 = arith.constant 0 : i32
      %dma_wait3A_34 = tpu.memref_slice %arg6[%add3A_16, %dma_wait3A_33] : memref<10240x128xf32, #tpu.memory_space<vmem_shared>> -> memref<128x128xf32, #tpu.memory_space<vmem_shared>>
      tpu.wait_dma2 semaphore(%run_scoped3A : memref<!tpu.dma_semaphore, #tpu.memory_space<semaphore_mem>>) src(%arg10 : memref<128x128xf32, #tpu.memory_space<vmem>>) dst(%dma_wait3A_34 : memref<128x128xf32, #tpu.memory_space<vmem_shared>>)
      tpu.yield
    }) : () -> ()
    %add3A_17 = arith.constant 512 : i32
    %add3A_18 = arith.addi %mul3A_8, %add3A_17 : i32
    "tpu.region"() ({
      %run_scoped3A = tpu.sem_alloc : memref<!tpu.dma_semaphore, #tpu.memory_space<semaphore_mem>>
      %dma_start3A = arith.constant 0 : i32
      %dma_start3A_29 = tpu.memref_slice %arg6[%add3A_18, %dma_start3A] : memref<10240x128xf32, #tpu.memory_space<vmem_shared>> -> memref<128x128xf32, #tpu.memory_space<vmem_shared>>
      %dma_start3A_30 = arith.constant 0 : i32
      %dma_start3A_31 = tpu.memref_slice %arg6[%add3A_18, %dma_start3A_30] : memref<10240x128xf32, #tpu.memory_space<vmem_shared>> -> memref<128x128xf32, #tpu.memory_space<vmem_shared>>
      tpu.enqueue_dma source(%arg10 : memref<128x128xf32, #tpu.memory_space<vmem>>) target(%dma_start3A_31 : memref<128x128xf32, #tpu.memory_space<vmem_shared>>) target_semaphore(%run_scoped3A : memref<!tpu.dma_semaphore, #tpu.memory_space<semaphore_mem>>)
      %dma_wait3A = arith.constant 0 : i32
      %dma_wait3A_32 = tpu.memref_slice %arg6[%add3A_18, %dma_wait3A] : memref<10240x128xf32, #tpu.memory_space<vmem_shared>> -> memref<128x128xf32, #tpu.memory_space<vmem_shared>>
      %dma_wait3A_33 = arith.constant 0 : i32
      %dma_wait3A_34 = tpu.memref_slice %arg6[%add3A_18, %dma_wait3A_33] : memref<10240x128xf32, #tpu.memory_space<vmem_shared>> -> memref<128x128xf32, #tpu.memory_space<vmem_shared>>
      tpu.wait_dma2 semaphore(%run_scoped3A : memref<!tpu.dma_semaphore, #tpu.memory_space<semaphore_mem>>) src(%arg10 : memref<128x128xf32, #tpu.memory_space<vmem>>) dst(%dma_wait3A_34 : memref<128x128xf32, #tpu.memory_space<vmem_shared>>)
      tpu.yield
    }) : () -> ()
    %barrier3A = arith.constant 0 : index
    tpu.barrier barrier_id(%barrier3A)
    %mul3A_19 = arith.constant 10112 : i32
    %mul3A_20 = arith.muli %add3A, %mul3A_19 : i32
    %scan3A_21 = arith.constant 0 : i32
    %scan3A_22 = arith.constant 0 : i32
    %scan3A_23 = arith.constant 79 : i32
    %scan3A_24 = arith.addi %scan3A_22, %scan3A_23 : i32
    %scan3A_25 = arith.constant 1 : i32
    %scan3A_26 = scf.for %scan3A_29 = %scan3A_22 to %scan3A_24 step %scan3A_25 iter_args(%scan3A_30 = %scan3A_21) -> (i32)  : i32 {
      %mul3A_31 = arith.constant 128 : i32
      %mul3A_32 = arith.muli %scan3A_29, %mul3A_31 : i32
      %add3A_33 = arith.addi %mul3A_20, %mul3A_32 : i32
      "tpu.region"() ({
        %run_scoped3A = tpu.sem_alloc : memref<!tpu.dma_semaphore, #tpu.memory_space<semaphore_mem>>
        %dma_start3A_42 = tpu.memref_slice %arg3[%add3A_33] : memref<323584xi32, #tpu.memory_space<hbm>> -> memref<128xi32, #tpu.memory_space<hbm>>
        %dma_start3A_43 = tpu.memref_slice %arg3[%add3A_33] : memref<323584xi32, #tpu.memory_space<hbm>> -> memref<128xi32, #tpu.memory_space<hbm>>
        tpu.enqueue_dma source(%dma_start3A_43 : memref<128xi32, #tpu.memory_space<hbm>>) target(%arg7 : memref<128xi32, #tpu.memory_space<vmem>>) target_semaphore(%run_scoped3A : memref<!tpu.dma_semaphore, #tpu.memory_space<semaphore_mem>>)
        %dma_wait3A_44 = tpu.memref_slice %arg3[%add3A_33] : memref<323584xi32, #tpu.memory_space<hbm>> -> memref<128xi32, #tpu.memory_space<hbm>>
        %dma_wait3A_45 = tpu.memref_slice %arg3[%add3A_33] : memref<323584xi32, #tpu.memory_space<hbm>> -> memref<128xi32, #tpu.memory_space<hbm>>
        tpu.wait_dma2 semaphore(%run_scoped3A : memref<!tpu.dma_semaphore, #tpu.memory_space<semaphore_mem>>) src(%dma_wait3A_45 : memref<128xi32, #tpu.memory_space<hbm>>) dst(%arg7 : memref<128xi32, #tpu.memory_space<vmem>>)
        tpu.yield
      }) : () -> ()
      %mul3A_34 = arith.constant 128 : i32
      %mul3A_35 = arith.muli %scan3A_29, %mul3A_34 : i32
      %add3A_36 = arith.addi %mul3A_20, %mul3A_35 : i32
      "tpu.region"() ({
        %run_scoped3A = tpu.sem_alloc : memref<!tpu.dma_semaphore, #tpu.memory_space<semaphore_mem>>
        %dma_start3A_42 = tpu.memref_slice %arg4[%add3A_36] : memref<323584xi32, #tpu.memory_space<hbm>> -> memref<128xi32, #tpu.memory_space<hbm>>
        %dma_start3A_43 = tpu.memref_slice %arg4[%add3A_36] : memref<323584xi32, #tpu.memory_space<hbm>> -> memref<128xi32, #tpu.memory_space<hbm>>
        tpu.enqueue_dma source(%dma_start3A_43 : memref<128xi32, #tpu.memory_space<hbm>>) target(%arg8 : memref<128xi32, #tpu.memory_space<vmem>>) target_semaphore(%run_scoped3A : memref<!tpu.dma_semaphore, #tpu.memory_space<semaphore_mem>>)
        %dma_wait3A_44 = tpu.memref_slice %arg4[%add3A_36] : memref<323584xi32, #tpu.memory_space<hbm>> -> memref<128xi32, #tpu.memory_space<hbm>>
        %dma_wait3A_45 = tpu.memref_slice %arg4[%add3A_36] : memref<323584xi32, #tpu.memory_space<hbm>> -> memref<128xi32, #tpu.memory_space<hbm>>
        tpu.wait_dma2 semaphore(%run_scoped3A : memref<!tpu.dma_semaphore, #tpu.memory_space<semaphore_mem>>) src(%dma_wait3A_45 : memref<128xi32, #tpu.memory_space<hbm>>) dst(%arg8 : memref<128xi32, #tpu.memory_space<vmem>>)
        tpu.yield
      }) : () -> ()
      %dma_start3A = arith.constant 0 : i32
      %dma_start3A_37 = arith.constant 0 : i32
      %dma_start3A_38 = tpu.memref_slice %arg2[%dma_start3A, %dma_start3A_37] : memref<10240x128xf32, #tpu.memory_space<hbm>> -> memref<10240x128xf32, #tpu.memory_space<hbm>>
      tpu.enqueue_indirect_dma source(%dma_start3A_38 : memref<10240x128xf32, #tpu.memory_space<hbm>>) target(%arg9 : memref<128x128xf32, #tpu.memory_space<vmem>>) offsets(%arg7 : memref<128xi32, #tpu.memory_space<vmem>>) semaphore(%arg11 : memref<!tpu.dma_semaphore, #tpu.memory_space<semaphore_mem>>)
      %dma_wait3A = arith.constant 0 : i32
      %dma_wait3A_39 = arith.constant 0 : i32
      %dma_wait3A_40 = tpu.memref_slice %arg2[%dma_wait3A, %dma_wait3A_39] : memref<10240x128xf32, #tpu.memory_space<hbm>> -> memref<10240x128xf32, #tpu.memory_space<hbm>>
      tpu.wait_indirect_dma semaphore(%arg11 : memref<!tpu.dma_semaphore, #tpu.memory_space<semaphore_mem>>) src(%dma_wait3A_40 : memref<10240x128xf32, #tpu.memory_space<hbm>>) dst(%arg9 : memref<128x128xf32, #tpu.memory_space<vmem>>)
      "tpu.region"() ({
        %run_scoped3A = tpu.sem_alloc : memref<!tpu.dma_semaphore, #tpu.memory_space<semaphore_mem>>
        %dma_start3A_42 = arith.constant 0 : i32
        %dma_start3A_43 = arith.constant 0 : i32
        %dma_start3A_44 = tpu.memref_slice %arg6[%dma_start3A_42, %dma_start3A_43] : memref<10240x128xf32, #tpu.memory_space<vmem_shared>> -> memref<10240x128xf32, #tpu.memory_space<vmem_shared>>
        tpu.enqueue_indirect_dma source(%arg9 : memref<128x128xf32, #tpu.memory_space<vmem>>) target(%dma_start3A_44 : memref<10240x128xf32, #tpu.memory_space<vmem_shared>>) offsets(%arg8 : memref<128xi32, #tpu.memory_space<vmem>>) semaphore(%run_scoped3A : memref<!tpu.dma_semaphore, #tpu.memory_space<semaphore_mem>>) {add = true}
        %dma_wait3A_45 = arith.constant 0 : i32
        %dma_wait3A_46 = arith.constant 0 : i32
        %dma_wait3A_47 = tpu.memref_slice %arg6[%dma_wait3A_45, %dma_wait3A_46] : memref<10240x128xf32, #tpu.memory_space<vmem_shared>> -> memref<10240x128xf32, #tpu.memory_space<vmem_shared>>
        tpu.wait_indirect_dma semaphore(%run_scoped3A : memref<!tpu.dma_semaphore, #tpu.memory_space<semaphore_mem>>) src(%arg9 : memref<128x128xf32, #tpu.memory_space<vmem>>) dst(%dma_wait3A_47 : memref<10240x128xf32, #tpu.memory_space<vmem_shared>>)
        tpu.yield
      }) : () -> ()
      %scan3A_41 = arith.constant 0 : i32
      scf.yield %scan3A_41 : i32
    }
    %scan3A_27 = arith.constant 79 : i32
    %barrier3A_28 = arith.constant 0 : index
    tpu.barrier barrier_id(%barrier3A_28)
    "tpu.region"() ({
      %run_scoped3A = tpu.sem_alloc : memref<!tpu.dma_semaphore, #tpu.memory_space<semaphore_mem>>
      %dma_start3A = arith.constant 0 : i32
      %dma_start3A_29 = tpu.memref_slice %arg5[%arg0, %mul3A_8, %dma_start3A] : memref<2x10240x128xf32, #tpu.memory_space<hbm>> -> memref<1x640x128xf32, #tpu.memory_space<hbm>>
      %dma_start3A_30 = tpu.memref_squeeze %dma_start3A_29 : memref<1x640x128xf32, #tpu.memory_space<hbm>> -> memref<640x128xf32, #tpu.memory_space<hbm>>
      %dma_start3A_31 = arith.constant 0 : i32
      %dma_start3A_32 = tpu.memref_slice %arg6[%mul3A_8, %dma_start3A_31] : memref<10240x128xf32, #tpu.memory_space<vmem_shared>> -> memref<640x128xf32, #tpu.memory_space<vmem_shared>>
      tpu.enqueue_dma source(%dma_start3A_32 : memref<640x128xf32, #tpu.memory_space<vmem_shared>>) target(%dma_start3A_30 : memref<640x128xf32, #tpu.memory_space<hbm>>) target_semaphore(%run_scoped3A : memref<!tpu.dma_semaphore, #tpu.memory_space<semaphore_mem>>)
      %dma_wait3A = arith.constant 0 : i32
      %dma_wait3A_33 = tpu.memref_slice %arg5[%arg0, %mul3A_8, %dma_wait3A] : memref<2x10240x128xf32, #tpu.memory_space<hbm>> -> memref<1x640x128xf32, #tpu.memory_space<hbm>>
      %dma_wait3A_34 = tpu.memref_squeeze %dma_wait3A_33 : memref<1x640x128xf32, #tpu.memory_space<hbm>> -> memref<640x128xf32, #tpu.memory_space<hbm>>
      %dma_wait3A_35 = arith.constant 0 : i32
      %dma_wait3A_36 = tpu.memref_slice %arg6[%mul3A_8, %dma_wait3A_35] : memref<10240x128xf32, #tpu.memory_space<vmem_shared>> -> memref<640x128xf32, #tpu.memory_space<vmem_shared>>
      tpu.wait_dma2 semaphore(%run_scoped3A : memref<!tpu.dma_semaphore, #tpu.memory_space<semaphore_mem>>) src(%dma_wait3A_36 : memref<640x128xf32, #tpu.memory_space<vmem_shared>>) dst(%dma_wait3A_34 : memref<640x128xf32, #tpu.memory_space<hbm>>)
      tpu.yield
    }) : () -> ()
    return
  }
}

module attributes {stable_mosaic.version = 14 : i64} {
  func.func @_tc1_body(%arg0: i32, %arg1: memref<1280x128xf32, #tpu.memory_space<vmem>>, %arg2: memref<128x128xf32, #tpu.memory_space<vmem>>, %arg3: memref<2x1280x16xf32, #tpu.memory_space<vmem>>, %arg4: memref<1280x128xf32, #tpu.memory_space<vmem>>) attributes {dimension_semantics = [#tpu.dimension_semantics<arbitrary>], iteration_bounds = array<i64: 8>, scalar_prefetch = 0 : i64, scratch_operands = 0 : i64, tpu.core_type = #tpu.core_type<tc>, window_params = [{transform_indices = @transform_0, window_bounds = array<i64: 1280, 128>}, {pipeline_mode = #tpu.pipeline_mode<synchronous>, transform_indices = @transform_1, window_bounds = array<i64: 128, 128>}, {transform_indices = @transform_2, window_bounds = array<i64: 2, 1280, 16>}, {transform_indices = @transform_3, window_bounds = array<i64: 1280, 128>}]} {
    %get3A = arith.constant 0 : index
    %get3A_0 = arith.constant 0 : index
    %get3A_1 = vector.load %arg1[%get3A, %get3A_0] : memref<1280x128xf32, #tpu.memory_space<vmem>>, vector<1280x128xf32>
    %get3A_2 = arith.constant 0 : index
    %get3A_3 = arith.constant 0 : index
    %get3A_4 = vector.load %arg2[%get3A_2, %get3A_3] : memref<128x128xf32, #tpu.memory_space<vmem>>, vector<128x128xf32>
    %dot_general3A = arith.constant dense<0.000000e+00> : vector<1280x128xf32>
    %dot_general3A_5 = tpu.matmul %get3A_1, %get3A_4, %dot_general3A {dimension_numbers = #tpu.dot_dimension_numbers<[1], [0], [0], [1], [0, 0, 1, 1], [], []>, transpose_lhs_hint = false} : vector<1280x128xf32>, vector<128x128xf32>, vector<1280x128xf32> -> vector<1280x128xf32>
    %get3A_6 = arith.constant 0 : index
    %get3A_7 = arith.constant 0 : index
    %get3A_8 = arith.constant 0 : index
    %get3A_9 = vector.load %arg3[%get3A_6, %get3A_7, %get3A_8] : memref<2x1280x16xf32, #tpu.memory_space<vmem>>, vector<1x1280x16xf32>
    %get3A_10 = vector.shape_cast %get3A_9 : vector<1x1280x16xf32> to vector<1280x16xf32>
    %get3A_11 = arith.constant 1 : index
    %get3A_12 = arith.constant 0 : index
    %get3A_13 = arith.constant 0 : index
    %get3A_14 = vector.load %arg3[%get3A_11, %get3A_12, %get3A_13] : memref<2x1280x16xf32, #tpu.memory_space<vmem>>, vector<1x1280x16xf32>
    %get3A_15 = vector.shape_cast %get3A_14 : vector<1x1280x16xf32> to vector<1280x16xf32>
    %add3A = arith.addf %get3A_10, %get3A_15 : vector<1280x16xf32>
    %add3A_16 = arith.constant 1.000000e+00 : f32
    %add3A_17 = vector.broadcast %add3A_16 : f32 to vector<1280x16xf32>
    %add3A_18 = arith.addf %add3A, %add3A_17 : vector<1280x16xf32>
    %rsqrt3A = math.rsqrt %add3A_18 : vector<1280x16xf32>
    %slice3A = vector.extract_strided_slice %rsqrt3A {offsets = [0, 0], sizes = [1280, 1], strides = [1, 1]} : vector<1280x16xf32> to vector<1280x1xf32>
    %mul3A = vector.broadcast %slice3A : vector<1280x1xf32> to vector<1280x128xf32>
    %mul3A_19 = arith.mulf %dot_general3A_5, %mul3A : vector<1280x128xf32>
    %swap3A = arith.constant 0 : index
    %swap3A_20 = arith.constant 0 : index
    %swap3A_21 = vector.load %arg4[%swap3A, %swap3A_20] : memref<1280x128xf32, #tpu.memory_space<vmem>>, vector<1280x128xf32>
    tpu.vector_store %arg4[%swap3A, %swap3A_20], %mul3A_19 {strides = array<i32>} : memref<1280x128xf32, #tpu.memory_space<vmem>>, vector<1280x128xf32>,
    return
  }
  func.func @transform_0(%arg0: i32) -> (i32, i32) {
    %c0_i32 = arith.constant 0 : i32
    %c0_i32_0 = arith.constant 0 : i32
    return %arg0, %c0_i32 : i32, i32
  }
  func.func @transform_1(%arg0: i32) -> (i32, i32) {
    %c0_i32 = arith.constant 0 : i32
    %c0_i32_0 = arith.constant 0 : i32
    %c0_i32_1 = arith.constant 0 : i32
    return %c0_i32, %c0_i32_0 : i32, i32
  }
  func.func @transform_2(%arg0: i32) -> (i32, i32, i32) {
    %c0_i32 = arith.constant 0 : i32
    %c0_i32_0 = arith.constant 0 : i32
    %c0_i32_1 = arith.constant 0 : i32
    return %c0_i32, %arg0, %c0_i32_0 : i32, i32, i32
  }
  func.func @transform_3(%arg0: i32) -> (i32, i32) {
    %c0_i32 = arith.constant 0 : i32
    %c0_i32_0 = arith.constant 0 : i32
    return %arg0, %c0_i32 : i32, i32
  }
}

module attributes {stable_mosaic.version = 14 : i64} {
  func.func @_tc2_body(%arg0: i32, %arg1: memref<2x1280x128xf32, #tpu.memory_space<vmem>>, %arg2: memref<1280x128xf32, #tpu.memory_space<vmem>>, %arg3: memref<2x1280x16xf32, #tpu.memory_space<vmem>>, %arg4: memref<1x128xf32, #tpu.memory_space<vmem>>, %arg5: memref<128x128xf32, #tpu.memory_space<vmem>>, %arg6: memref<1280x128xf32, #tpu.memory_space<vmem>>) attributes {dimension_semantics = [#tpu.dimension_semantics<arbitrary>], iteration_bounds = array<i64: 8>, scalar_prefetch = 0 : i64, scratch_operands = 0 : i64, tpu.core_type = #tpu.core_type<tc>, window_params = [{transform_indices = @transform_0, window_bounds = array<i64: 2, 1280, 128>}, {transform_indices = @transform_1, window_bounds = array<i64: 1280, 128>}, {transform_indices = @transform_2, window_bounds = array<i64: 2, 1280, 16>}, {pipeline_mode = #tpu.pipeline_mode<synchronous>, transform_indices = @transform_3, window_bounds = array<i64: 1, 128>}, {pipeline_mode = #tpu.pipeline_mode<synchronous>, transform_indices = @transform_4, window_bounds = array<i64: 128, 128>}, {transform_indices = @transform_5, window_bounds = array<i64: 1280, 128>}]} {
    %get3A = arith.constant 0 : index
    %get3A_0 = arith.constant 0 : index
    %get3A_1 = arith.constant 0 : index
    %get3A_2 = vector.load %arg3[%get3A, %get3A_0, %get3A_1] : memref<2x1280x16xf32, #tpu.memory_space<vmem>>, vector<1x1280x16xf32>
    %get3A_3 = vector.shape_cast %get3A_2 : vector<1x1280x16xf32> to vector<1280x16xf32>
    %get3A_4 = arith.constant 1 : index
    %get3A_5 = arith.constant 0 : index
    %get3A_6 = arith.constant 0 : index
    %get3A_7 = vector.load %arg3[%get3A_4, %get3A_5, %get3A_6] : memref<2x1280x16xf32, #tpu.memory_space<vmem>>, vector<1x1280x16xf32>
    %get3A_8 = vector.shape_cast %get3A_7 : vector<1x1280x16xf32> to vector<1280x16xf32>
    %add3A = arith.addf %get3A_3, %get3A_8 : vector<1280x16xf32>
    %add3A_9 = arith.constant 1.000000e+00 : f32
    %add3A_10 = vector.broadcast %add3A_9 : f32 to vector<1280x16xf32>
    %add3A_11 = arith.addf %add3A, %add3A_10 : vector<1280x16xf32>
    %rsqrt3A = math.rsqrt %add3A_11 : vector<1280x16xf32>
    %slice3A = vector.extract_strided_slice %rsqrt3A {offsets = [0, 0], sizes = [1280, 1], strides = [1, 1]} : vector<1280x16xf32> to vector<1280x1xf32>
    %get3A_12 = arith.constant 0 : index
    %get3A_13 = arith.constant 0 : index
    %get3A_14 = arith.constant 0 : index
    %get3A_15 = vector.load %arg1[%get3A_12, %get3A_13, %get3A_14] : memref<2x1280x128xf32, #tpu.memory_space<vmem>>, vector<1x1280x128xf32>
    %get3A_16 = vector.shape_cast %get3A_15 : vector<1x1280x128xf32> to vector<1280x128xf32>
    %get3A_17 = arith.constant 1 : index
    %get3A_18 = arith.constant 0 : index
    %get3A_19 = arith.constant 0 : index
    %get3A_20 = vector.load %arg1[%get3A_17, %get3A_18, %get3A_19] : memref<2x1280x128xf32, #tpu.memory_space<vmem>>, vector<1x1280x128xf32>
    %get3A_21 = vector.shape_cast %get3A_20 : vector<1x1280x128xf32> to vector<1280x128xf32>
    %add3A_22 = arith.addf %get3A_16, %get3A_21 : vector<1280x128xf32>
    %get3A_23 = arith.constant 0 : index
    %get3A_24 = arith.constant 0 : index
    %get3A_25 = vector.load %arg2[%get3A_23, %get3A_24] : memref<1280x128xf32, #tpu.memory_space<vmem>>, vector<1280x128xf32>
    %add3A_26 = arith.addf %add3A_22, %get3A_25 : vector<1280x128xf32>
    %mul3A = vector.broadcast %slice3A : vector<1280x1xf32> to vector<1280x128xf32>
    %mul3A_27 = arith.mulf %add3A_26, %mul3A : vector<1280x128xf32>
    %get3A_28 = arith.constant 0 : index
    %get3A_29 = arith.constant 0 : index
    %get3A_30 = vector.load %arg4[%get3A_28, %get3A_29] : memref<1x128xf32, #tpu.memory_space<vmem>>, vector<1x128xf32>
    %add3A_31 = vector.broadcast %get3A_30 : vector<1x128xf32> to vector<1280x128xf32>
    %add3A_32 = arith.addf %mul3A_27, %add3A_31 : vector<1280x128xf32>
    %max3A = arith.constant 0.000000e+00 : f32
    %max3A_33 = vector.broadcast %max3A : f32 to vector<1280x128xf32>
    %max3A_34 = arith.maximumf %add3A_32, %max3A_33 : vector<1280x128xf32>
    %get3A_35 = arith.constant 0 : index
    %get3A_36 = arith.constant 0 : index
    %get3A_37 = vector.load %arg5[%get3A_35, %get3A_36] : memref<128x128xf32, #tpu.memory_space<vmem>>, vector<128x128xf32>
    %dot_general3A = arith.constant dense<0.000000e+00> : vector<1280x128xf32>
    %dot_general3A_38 = tpu.matmul %max3A_34, %get3A_37, %dot_general3A {dimension_numbers = #tpu.dot_dimension_numbers<[1], [0], [0], [1], [0, 0, 1, 1], [], []>, transpose_lhs_hint = false} : vector<1280x128xf32>, vector<128x128xf32>, vector<1280x128xf32> -> vector<1280x128xf32>
    %mul3A_39 = vector.broadcast %slice3A : vector<1280x1xf32> to vector<1280x128xf32>
    %mul3A_40 = arith.mulf %dot_general3A_38, %mul3A_39 : vector<1280x128xf32>
    %mul3A_41 = arith.constant 1280 : i32
    %mul3A_42 = arith.muli %arg0, %mul3A_41 : i32
    %iota3A = tpu.iota {dimensions = array<i32: 0>} : vector<1280x1xi32>
    %add3A_43 = vector.broadcast %mul3A_42 : i32 to vector<1280x1xi32>
    %add3A_44 = arith.addi %add3A_43, %iota3A : vector<1280x1xi32>
    %lt3A = arith.constant 10000 : i32
    %lt3A_45 = vector.broadcast %lt3A : i32 to vector<1280x1xi32>
    %lt3A_46 = arith.cmpi slt, %add3A_44, %lt3A_45 : vector<1280x1xi32>
    %jit3A = arith.constant 0.000000e+00 : f32
    %broadcast_in_dim3A = vector.shape_cast %lt3A_46 : vector<1280x1xi1> to vector<1280x1xi1>
    %broadcast_in_dim3A_47 = vector.broadcast %broadcast_in_dim3A : vector<1280x1xi1> to vector<1280x128xi1>
    %broadcast_in_dim3A_48 = vector.broadcast %jit3A : f32 to vector<1280x128xf32>
    %select_n3A = arith.select %broadcast_in_dim3A_47, %mul3A_40, %broadcast_in_dim3A_48 : vector<1280x128xi1>, vector<1280x128xf32>
    %swap3A = arith.constant 0 : index
    %swap3A_49 = arith.constant 0 : index
    %swap3A_50 = vector.load %arg6[%swap3A, %swap3A_49] : memref<1280x128xf32, #tpu.memory_space<vmem>>, vector<1280x128xf32>
    tpu.vector_store %arg6[%swap3A, %swap3A_49], %select_n3A {strides = array<i32>} : memref<1280x128xf32, #tpu.memory_space<vmem>>, vector<1280x128xf32>,
    return
  }
  func.func @transform_0(%arg0: i32) -> (i32, i32, i32) {
    %c0_i32 = arith.constant 0 : i32
    %c0_i32_0 = arith.constant 0 : i32
    %c0_i32_1 = arith.constant 0 : i32
    return %c0_i32, %arg0, %c0_i32_0 : i32, i32, i32
  }
  func.func @transform_1(%arg0: i32) -> (i32, i32) {
    %c0_i32 = arith.constant 0 : i32
    %c0_i32_0 = arith.constant 0 : i32
    return %arg0, %c0_i32 : i32, i32
  }
  func.func @transform_2(%arg0: i32) -> (i32, i32, i32) {
    %c0_i32 = arith.constant 0 : i32
    %c0_i32_0 = arith.constant 0 : i32
    %c0_i32_1 = arith.constant 0 : i32
    return %c0_i32, %arg0, %c0_i32_0 : i32, i32, i32
  }
  func.func @transform_3(%arg0: i32) -> (i32, i32) {
    %c0_i32 = arith.constant 0 : i32
    %c0_i32_0 = arith.constant 0 : i32
    %c0_i32_1 = arith.constant 0 : i32
    return %c0_i32, %c0_i32_0 : i32, i32
  }
  func.func @transform_4(%arg0: i32) -> (i32, i32) {
    %c0_i32 = arith.constant 0 : i32
    %c0_i32_0 = arith.constant 0 : i32
    %c0_i32_1 = arith.constant 0 : i32
    return %c0_i32, %c0_i32_0 : i32, i32
  }
  func.func @transform_5(%arg0: i32) -> (i32, i32) {
    %c0_i32 = arith.constant 0 : i32
    %c0_i32_0 = arith.constant 0 : i32
    return %arg0, %c0_i32 : i32, i32
  }
}

module attributes {stable_mosaic.version = 14 : i64} {
  func.func @_tc3_body(%arg0: i32, %arg1: memref<2x1000x128xf32, #tpu.memory_space<vmem>>, %arg2: memref<1000x128xf32, #tpu.memory_space<vmem>>, %arg3: memref<2x1000x16xf32, #tpu.memory_space<vmem>>, %arg4: memref<1x128xf32, #tpu.memory_space<vmem>>, %arg5: memref<1000x128xf32, #tpu.memory_space<vmem>>) attributes {dimension_semantics = [#tpu.dimension_semantics<arbitrary>], iteration_bounds = array<i64: 10>, scalar_prefetch = 0 : i64, scratch_operands = 0 : i64, tpu.core_type = #tpu.core_type<tc>, window_params = [{transform_indices = @transform_0, window_bounds = array<i64: 2, 1000, 128>}, {transform_indices = @transform_1, window_bounds = array<i64: 1000, 128>}, {transform_indices = @transform_2, window_bounds = array<i64: 2, 1000, 16>}, {pipeline_mode = #tpu.pipeline_mode<synchronous>, transform_indices = @transform_3, window_bounds = array<i64: 1, 128>}, {transform_indices = @transform_4, window_bounds = array<i64: 1000, 128>}]} {
    %get3A = arith.constant 0 : index
    %get3A_0 = arith.constant 0 : index
    %get3A_1 = arith.constant 0 : index
    %get3A_2 = vector.load %arg3[%get3A, %get3A_0, %get3A_1] : memref<2x1000x16xf32, #tpu.memory_space<vmem>>, vector<1x1000x16xf32>
    %get3A_3 = vector.shape_cast %get3A_2 : vector<1x1000x16xf32> to vector<1000x16xf32>
    %get3A_4 = arith.constant 1 : index
    %get3A_5 = arith.constant 0 : index
    %get3A_6 = arith.constant 0 : index
    %get3A_7 = vector.load %arg3[%get3A_4, %get3A_5, %get3A_6] : memref<2x1000x16xf32, #tpu.memory_space<vmem>>, vector<1x1000x16xf32>
    %get3A_8 = vector.shape_cast %get3A_7 : vector<1x1000x16xf32> to vector<1000x16xf32>
    %add3A = arith.addf %get3A_3, %get3A_8 : vector<1000x16xf32>
    %add3A_9 = arith.constant 1.000000e+00 : f32
    %add3A_10 = vector.broadcast %add3A_9 : f32 to vector<1000x16xf32>
    %add3A_11 = arith.addf %add3A, %add3A_10 : vector<1000x16xf32>
    %rsqrt3A = math.rsqrt %add3A_11 : vector<1000x16xf32>
    %slice3A = vector.extract_strided_slice %rsqrt3A {offsets = [0, 0], sizes = [1000, 1], strides = [1, 1]} : vector<1000x16xf32> to vector<1000x1xf32>
    %get3A_12 = arith.constant 0 : index
    %get3A_13 = arith.constant 0 : index
    %get3A_14 = arith.constant 0 : index
    %get3A_15 = vector.load %arg1[%get3A_12, %get3A_13, %get3A_14] : memref<2x1000x128xf32, #tpu.memory_space<vmem>>, vector<1x1000x128xf32>
    %get3A_16 = vector.shape_cast %get3A_15 : vector<1x1000x128xf32> to vector<1000x128xf32>
    %get3A_17 = arith.constant 1 : index
    %get3A_18 = arith.constant 0 : index
    %get3A_19 = arith.constant 0 : index
    %get3A_20 = vector.load %arg1[%get3A_17, %get3A_18, %get3A_19] : memref<2x1000x128xf32, #tpu.memory_space<vmem>>, vector<1x1000x128xf32>
    %get3A_21 = vector.shape_cast %get3A_20 : vector<1x1000x128xf32> to vector<1000x128xf32>
    %add3A_22 = arith.addf %get3A_16, %get3A_21 : vector<1000x128xf32>
    %get3A_23 = arith.constant 0 : index
    %get3A_24 = arith.constant 0 : index
    %get3A_25 = vector.load %arg2[%get3A_23, %get3A_24] : memref<1000x128xf32, #tpu.memory_space<vmem>>, vector<1000x128xf32>
    %add3A_26 = arith.addf %add3A_22, %get3A_25 : vector<1000x128xf32>
    %mul3A = vector.broadcast %slice3A : vector<1000x1xf32> to vector<1000x128xf32>
    %mul3A_27 = arith.mulf %add3A_26, %mul3A : vector<1000x128xf32>
    %get3A_28 = arith.constant 0 : index
    %get3A_29 = arith.constant 0 : index
    %get3A_30 = vector.load %arg4[%get3A_28, %get3A_29] : memref<1x128xf32, #tpu.memory_space<vmem>>, vector<1x128xf32>
    %add3A_31 = vector.broadcast %get3A_30 : vector<1x128xf32> to vector<1000x128xf32>
    %add3A_32 = arith.addf %mul3A_27, %add3A_31 : vector<1000x128xf32>
    %swap3A = arith.constant 0 : index
    %swap3A_33 = arith.constant 0 : index
    %swap3A_34 = vector.load %arg5[%swap3A, %swap3A_33] : memref<1000x128xf32, #tpu.memory_space<vmem>>, vector<1000x128xf32>
    tpu.vector_store %arg5[%swap3A, %swap3A_33], %add3A_32 {strides = array<i32>} : memref<1000x128xf32, #tpu.memory_space<vmem>>, vector<1000x128xf32>,
    return
  }
  func.func @transform_0(%arg0: i32) -> (i32, i32, i32) {
    %c0_i32 = arith.constant 0 : i32
    %c0_i32_0 = arith.constant 0 : i32
    %c0_i32_1 = arith.constant 0 : i32
    return %c0_i32, %arg0, %c0_i32_0 : i32, i32, i32
  }
  func.func @transform_1(%arg0: i32) -> (i32, i32) {
    %c0_i32 = arith.constant 0 : i32
    %c0_i32_0 = arith.constant 0 : i32
    return %arg0, %c0_i32 : i32, i32
  }
  func.func @transform_2(%arg0: i32) -> (i32, i32, i32) {
    %c0_i32 = arith.constant 0 : i32
    %c0_i32_0 = arith.constant 0 : i32
    %c0_i32_1 = arith.constant 0 : i32
    return %c0_i32, %arg0, %c0_i32_0 : i32, i32, i32
  }
  func.func @transform_3(%arg0: i32) -> (i32, i32) {
    %c0_i32 = arith.constant 0 : i32
    %c0_i32_0 = arith.constant 0 : i32
    %c0_i32_1 = arith.constant 0 : i32
    return %c0_i32, %c0_i32_0 : i32, i32
  }
  func.func @transform_4(%arg0: i32) -> (i32, i32) {
    %c0_i32 = arith.constant 0 : i32
    %c0_i32_0 = arith.constant 0 : i32
    return %arg0, %c0_i32 : i32, i32
  }
}

</mosaic_0001>

<sc_bundles>
// kernel: kernel.11.cloned.1.call-start
scs
__scs_entry_jumppad:
0x0: {  	(pc) =	sbr.rel $0x88, $3  }
0x1: {  	(tag) =	ssettag $0x0;
	lr =	simm.s32 $0x1  }
0x2: {  	[smem:$0x3F9B] =	sst lr;
	_ =	strace $0xD0000000  }
0x3: {  	_ = 	snop  }
0x4: {  	_ = 	snop  }
0x5: {  	_ = 	snop  }
0x6: {  	_ = 	snop  }
0x7: {  	_ = 	snop  }
__scs_overlays_trampoline_lowered:
0x8: {  	[smem:$0x3FAA] =	sst s0  }
0x9: {  	[smem:$0x3FAB] =	sst s1  }
0xa: {  	[smem:$0x3FAC] =	sst s2  }
0xb: {  	[smem:$0x3FAD] =	sst s3  }
0xc: {  	[smem:$0x3FAE] =	sst s4  }
0xd: {  	[smem:$0x3FAF] =	sst s5  }
0xe: {  	[smem:$0x3FB0] =	sst s6  }
0xf: {  	[smem:$0x3FB1] =	sst s7  }
0x10: {  	[smem:$0x3FB2] =	sst s8  }
0x11: {  	[smem:$0x3FB3] =	sst s9;
	s0 =	simm.s32 @!p0 $0x0  }
0x12: {  	s1 =	sld [smem:$0x3F99];
	s0 =	simm.s32 @p0 $0x1  }
0x13: {  	[smem:$0x3FB4] =	sst s0;
	s0 =	simm.s32 @!p1 $0x0  }
0x14: {  	s2 =	sld [smem:$0x3F98];
	s0 =	simm.s32 @p1 $0x1  }
0x15: {  	[smem:$0x3FB5] =	sst s0;
	s0 =	simm.s32 @!p2 $0x0  }
0x16: {  	s3 =	sld [smem:$0x3FDB];
	s0 =	simm.s32 @p2 $0x1  }
0x17: {  	s4 =	simm.s32 $0x1BF5;
	[smem:$0x3FB7] =	sst s0  }
0x18: {  	s0 =	sld [smem:$0x3F9A];
	_ =	swait.ge [sflag:s4], $0x0  }
0x19: {  	s7 =	sld [smem:$0x3F9B]  }
0x1a: {  	s8 =	sadd.s32 $0xFFFFE003, lr  }
0x1b: {  	s9 =	sadd.s32 $0xFFFFFEF7, lr;
	s5 =	simm.s32 $0xFFFFFFFF;
	p2 =	slt.u32 s8, $0xFFFFF086  }
0x1c: {  	p1 =	slt.u32 s9, $0xF7A;
	s5 =	simm.s32 @!p2 $0x0  }
0x1d: {  	s5 =	simm.s32 @p1 $0x1;
	p0 =	seq.s32 s7, s2  }
0x1e: {  	s7 =	smul.u32 @!p0 $0xF7A, s2;
	p2 =	seq.s32 @!p0 s5, $0x0  }
0x1f: {  	s9 =	smul.u32 $0xF7A, s1;
	s8 =	simm.s32 @!p0 $0x1BF5;
	p2 =	por !p2, p0  }
0x20: {  	[sflag:s8] =	ssyncset.s32 @!p0 $0xFFFFF086;
	s6 =	sadd.s32 @!p0 s3, s7;
	s7 =	simm.s32 @!p0 $0x108  }
0x21: {  	s3 =	sadd.s32 s3, s9;
	s6 =	sadd.s32 @!p0 $0x88, s6;
	s7 =	simm.s32 @p2 $0x1082  }
0x22: {  	[simem:s7], [sflag:s8] =	dma.local @!p0 [hbm:s6], $0xF7A  }
0x23: {  	s9 =	sor.u32 $0xD0000000, s2;
	s6 =	simm.s32 $0x108;
	_ =	swait.ge @!p0 [sflag:s8], $0x0  }
0x24: {  	s3 =	sadd.s32 $0x88, s3;
	s6 =	simm.s32 @!p1 $0x1082;
	[sflag:s4] =	ssyncset.s32 $0xFFFFF086  }
0x25: {  	[simem:s6], [sflag:s4] =	dma.local [hbm:s3], $0xF7A  }
0x26: {  	[smem:$0x3F9B] =	sst s1;
	(tag) =	ssettag s2;
	_ =	strace s9  }
0x27: {  	s1 =	sld [smem:$0x3FAB]  }
0x28: {  	s2 =	sld [smem:$0x3FAC]  }
0x29: {  	s4 =	sld [smem:$0x3FAE]  }
0x2a: {  	p0 =	seq.s32 s5, $0x0;
	s5 =	sld [smem:$0x3FAF]  }
0x2b: {  	s6 =	sld [smem:$0x3FB0]  }
0x2c: {  	s7 =	sld [smem:$0x3FB1]  }
0x2d: {  	s3 =	simm.s32 $0x108;
	s8 =	sld [smem:$0x3FB2]  }
0x2e: {  	s3 =	simm.s32 @!p0 $0x1082;
	s9 =	sld [smem:$0x3FB3]  }
0x2f: {  	lr =	sadd.s32 s0, s3;
	s0 =	sld [smem:$0x3FAA]  }
0x30: {  	s3 =	sld [smem:$0x3FAD]  }
0x31: {  	[smem:$0x3FB6] =	sst s10  }
0x32: {  	s10 =	sld [smem:$0x3FB4];
	_ =	sdelay $0x3  }
0x33: {  	p0 =	seq.s32 s10, $0x1;
	s10 =	sld [smem:$0x3FB6];
	_ =	sdelay $0x3  }
0x34: {  	[smem:$0x3FB6] =	sst s10  }
0x35: {  	s10 =	sld [smem:$0x3FB5];
	_ =	sdelay $0x3  }
0x36: {  	p1 =	seq.s32 s10, $0x1;
	s10 =	sld [smem:$0x3FB6];
	_ =	sdelay $0x3  }
0x37: {  	[smem:$0x3FB6] =	sst s10  }
0x38: {  	s10 =	sld [smem:$0x3FB7]  }
0x39: {  	_ = 	snop;
	(pc) =	sbr.ind lr, $3  }
0x3a: {  	_ = 	snop  }
0x3b: {  	_ = 	snop  }
0x3c: {  	p2 =	seq.s32 s10, $0x1;
	s10 =	sld [smem:$0x3FB6]  }
0x3d: {  	_ =	shalt  }
0x3e: {  	_ =	shalt  }
0x3f: {  	_ =	shalt  }
0x40: {  	_ =	shalt  }
0x41: {  	_ =	shalt  }
0x42: {  	_ =	shalt  }
0x43: {  	_ =	shalt  }
0x44: {  	_ =	shalt  }
0x45: {  	_ =	shalt  }
0x46: {  	_ =	shalt  }
0x47: {  	_ =	shalt  }
0x48: {  	_ =	shalt  }
0x49: {  	_ =	shalt  }
0x4a: {  	_ =	shalt  }
0x4b: {  	_ =	shalt  }
0x4c: {  	_ =	shalt  }
0x4d: {  	_ =	shalt  }
0x4e: {  	_ =	shalt  }
0x4f: {  	_ =	shalt  }
0x50: {  	_ =	shalt  }
0x51: {  	_ =	shalt  }
0x52: {  	_ =	shalt  }
0x53: {  	_ =	shalt  }
0x54: {  	_ =	shalt  }
0x55: {  	_ =	shalt  }
0x56: {  	_ =	shalt  }
0x57: {  	_ =	shalt  }
0x58: {  	_ =	shalt  }
0x59: {  	_ =	shalt  }
0x5a: {  	_ =	shalt  }
0x5b: {  	_ =	shalt  }
0x5c: {  	_ =	shalt  }
0x5d: {  	_ =	shalt  }
0x5e: {  	_ =	shalt  }
0x5f: {  	_ =	shalt  }
0x60: {  	_ =	shalt  }
0x61: {  	_ =	shalt  }
0x62: {  	_ =	shalt  }
0x63: {  	_ =	shalt  }
0x64: {  	_ =	shalt  }
0x65: {  	_ =	shalt  }
0x66: {  	_ =	shalt  }
0x67: {  	_ =	shalt  }
0x68: {  	_ =	shalt  }
0x69: {  	_ =	shalt  }
0x6a: {  	_ =	shalt  }
0x6b: {  	_ =	shalt  }
0x6c: {  	_ =	shalt  }
0x6d: {  	_ =	shalt  }
0x6e: {  	_ =	shalt  }
0x6f: {  	_ =	shalt  }
0x70: {  	_ =	shalt  }
0x71: {  	_ =	shalt  }
0x72: {  	_ =	shalt  }
0x73: {  	_ =	shalt  }
0x74: {  	_ =	shalt  }
0x75: {  	_ =	shalt  }
0x76: {  	_ =	shalt  }
0x77: {  	_ =	shalt  }
0x78: {  	_ =	shalt  }
0x79: {  	_ =	shalt  }
0x7a: {  	_ =	shalt  }
0x7b: {  	_ =	shalt  }
0x7c: {  	_ =	shalt  }
0x7d: {  	_ =	shalt  }
0x7e: {  	_ =	shalt  }
0x7f: {  	_ =	shalt  }
0x80: {  	_ =	shalt  }
0x81: {  	_ =	shalt  }
0x82: {  	_ =	shalt  }
0x83: {  	_ =	shalt  }
0x84: {  	_ =	shalt  }
0x85: {  	_ =	shalt  }
0x86: {  	_ =	shalt  }
0x87: {  	_ =	shalt  }
.Lfunc_end0:
.L_simem_size_0:
called_computation.1_lowered:
.L_overlay_start_0:
0x88: {  	s2 =	sld [smem:$0x3FD9]  }
0x89: {  	s3 =	sld [smem:$0x3FFE];
	_ =	sdelay $0x1  }
0x8a: {  	s1 =	srdreg.scid  }
0x8b: {  	s0 =	sand.u32 $0x1, s1  }
0x8c: {  	s17 =	sshll.u32 s0, $0xA;
	s2 =	sadd.s32 s3, s2  }
0x8d: {  	s2 =	sadd.s32 s2, s17  }
0x8e: {  	[smem:$0x3FC2] =	sst s2  }
0x8f: {  	_ = 	snop  }
0x90: {  	s2 =	sld [smem:$0x3FD0];
	(tm) =	ssettm $0x1  }
0x91: {  	s18 =	sld [smem:$0x3FFB];
	_ =	sdelay $0x3  }
0x92: {  	_ =	strace s18  }
0x93: {  	s3 =	sld [smem:$0x3FFC];
	_ =	sdelay $0x3  }
0x94: {  	_ =	strace s3  }
0x95: {  	s3 =	sld [smem:$0x3FFD];
	_ =	sdelay $0x3  }
0x96: {  	_ =	strace s3  }
0x97: {  	_ =	strace $0x8FFFFFFF  }
0x98: {  	s19 =	sld [smem:$0x3FDB];
	_ =	sdelay $0x1  }
0x99: {  	s4 =	simm.s32 $_scs_section_size  }
0x9a: {  	s5 =	simm.s32 $_size__tile_overlayer_lowered;
	s6 =	simm.s32 $_tile_overlayer_lowered  }
0x9b: {  	s22 =	simm.s32 $0x1BFF;
	s21 =	sshll.u32 s6, $0x1;
	s3 =	sadd.s32 s4, s19  }
0x9c: {  	s7 =	simm.s32 $0x0;
	s20 =	sshll.u32 s5, $0x1;
	s5 =	sadd.s32 s21, s3  }
0x9d: {  	[timem:s7], [sflag:s22] =	dma.local [hbm:s5], s20  }
0x9e: {  	_ =	swait.ge [sflag:s22], s20  }
0x9f: {  	s4 =	ssub.s32 $0x0, s20;
	[sflag:s22] =	ssyncset.done $0x0  }
0xa0: {  	[sflag:s22] =	ssyncadd.s32 s4;
	_ =	sdelay $0x1  }
0xa1: {  	s23 =	simm.s32 $0x1B8B  }
0xa2: {  	_ =	swait.ge [sflag:s23], $0x1  }
0xa3: {  	[sflag:s23] =	ssyncset.done $0x0  }
0xa4: {  	s25 =	simm.s32 $0x1B8E;
	s24 =	sld [smem:$0x3FFE];
	[sflag:s23] =	ssyncadd.s32 $0xFFFFFFFF  }
0xa5: {  	s26 =	simm.s32 $execute0_lowered;
	[smem:$0x3FD2] =	sst s25  }
0xa6: {  	s5 =	sshll.u32 s26, $0x1;
	_ =	strace $0x80000049;
	[dreg:$0x1] =	wrdreg $0xFFFFFFFF  }
0xa7: {  	s28 =	simm.s32 $_size_execute0_lowered;
	s3 =	sadd.s32 s3, s5;
	[dreg:$0x0] =	wrdreg $0x0  }
0xa8: {  	s5 =	sshll.u32 s28, $0x1;
	[dreg:$0x2] =	wrdreg s3  }
0xa9: {  	[dreg:$0x3] =	wrdreg s5  }
0xaa: {  	[dreg:$0x4] =	wrdreg $0xC0  }
0xab: {  	_ =	task [dreg:s7], $0x5FFFF  }
0xac: {  	[dreg:$0x1] =	wrdreg $0xFFFFFFFF  }
0xad: {  	[dreg:$0x0] =	wrdreg $0x60  }
0xae: {  	[dreg:$0x2] =	wrdreg s24  }
0xaf: {  	[dreg:$0x3] =	wrdreg s2  }
0xb0: {  	[dreg:$0x4] =	wrdreg $0x0  }
0xb1: {  	[dreg:$0x5] =	wrdreg $0x9  }
0xb2: {  	_ =	task.clear_ibuf [dreg:s7], $0x6FFFF;
	_ =	strace $0x90000049  }
0xb3: {  	s29 =	simm.s32 $0x9;
	_ =	strace $0x8000004B  }
0xb4: {  	_ =	swait.ge [sflag:s29], $0x1  }
0xb5: {  	[sflag:s29] =	ssyncadd.s32 $0xFFFFFFFF  }
0xb6: {  	_ =	strace $0x9000004B  }
0xb7: {  	_ =	sfence  }
0xb8: {  	s30 =	sld [smem:$0x0];
	_ =	sdelay $0x2  }
0xb9: {  	s31 =	sshll.u32 s1, $0xD;
	s1 =	sshrl.u32 s1, $0x2  }
0xba: {  	s3 =	sand.u32 $0x4000, s31;
	s1 =	sadd.s32 s1, s30  }
0xbb: {  	s0 =	sor.u32 s3, s0;
	s1 =	sshll.u32 s1, $0x11  }
0xbc: {  	s0 =	sor.u32 s1, s0  }
0xbd: {  	s0 =	sadd.s32 $0x8F2B, s0  }
0xbe: {  	[sflag:s0] =	ssyncadd.remote.s32 $0x1  }
0xbf: {  	_ =	sfence.sel $0xFFFF  }
0xc0: {  	[dreg:$0x0] =	wrdreg $0xFFFFFFFF;
	(pc) =	sbr.abs _section_cstart, $3  }
0xc1: {  	[dreg:$0x1] =	wrdreg $0xFFFFFFFF  }
0xc2: {  	_ =	task.clear_ibuf [dreg:s7], $0x2FFFF;
	_ =	strace $0x9FFFFFFF  }
0xc3: {  	(tm) =	ssettm $0x7FFFFFFF  }
tec
execute0_lowered:
.L_overlay_start_1:
0x0: {  	(tag) =	ssettag $0x1  }
0x1: {  	s6 =	rddreg [dreg:$0x0];
	s0 =	stileid.u32  }
0x2: {  	s1 =	srdreg.scid;
	s11 =	rddreg [dreg:$0x1]  }
0x3: {  	s2 =	rddreg [dreg:$0x2];
	s3 =	simm.s32 $0x0;
	s16 =	simm.s32 $0x14000  }
0x4: {  	s17 =	simm.s32 $0x14080;
	s18 =	simm.s32 $0x80;
	s19 =	simm.s32 $0x14100  }
0x5: {  	s20 =	simm.s32 $0x1;
	s21 =	simm.s32 $0x0;
	s12 =	smul.u32 $0x9E0, s0  }
0x6: {  	s9 =	sand.u32 $0x1, s1;
	s1 =	rddreg [dreg:$0x3];
	s7 =	smul.u32 $0x14000, s0  }
0x7: {  	[smem:$0x7FF] =	sst s3;
	s8 =	smul.u32 $0x50000, s0;
	s4 =	sadd.s32 $0x5C000, s6  }
0x8: {  	s5 =	smul.u32 $0x140000, s9;
	_ =	strace $0x8000004A;
	s31 =	ssub.s32 $0x2, s9  }
0x9: {  	s15 =	smul.u32 $0x4F0, s9;
	s13 =	sadd.s32 s12, s6;
	s8 =	sshrl.u32 s8, $0x2  }
0xa: {  	s14 =	sshrl.u32 s31, $0x1;
	s12 =	sadd.s32 s12, s11;
	s5 =	sadd.s32 s7, s5  }
0xb: {  	s14 =	ssub.s32 s31, s14;
	s12 =	sadd.s32 s15, s12;
	s13 =	sadd.s32 s15, s13  }
0xc: {  	s15 =	simm.s32 $0x2;
	s10 =	sshrl.u32 s5, $0x3;
	s5 =	sadd.s32 s8, s2  }
0xd: {  	s11 =	smax.u32 s14, $0x1;
	s13 =	sadd.s32 $0x52200, s13;
	s14 =	simm.s32 $0x18100  }
0xe: {  	s10 =	sadd.s32 s10, s6;
	s6 =	sadd.s32 $0x4000, s5;
	s7 =	sadd.s32 $0x8000, s5  }
0xf: {  	v0 =	vimm.f32 $0.0e+00;
	s8 =	sadd.s32 $0xC000, s5;
	s9 =	sadd.s32 $0x10000, s5;
	s10 =	sadd.s32 $0x84000, s10  }
.LBB2_1:
0x10: {  	s22 =	simm.s32 $0x0;
	s23 =	simm.s32 $0x200  }
.LBB2_2:
0x11: {  	p0 =	sne.s32 s23, $0xFE00;
	[tilespmem:s22+$0x18170] =	vst v0  }
0x12: {  	[tilespmem:s22+$0x18100] =	vst v0  }
0x13: {  	[tilespmem:s22+$0x18110] =	vst v0  }
.Ltmp0:
0x14: {  	[tilespmem:s22+$0x18120] =	vst v0;
	(pc) =	sbr.rel @p0 .LBB2_2-.Ltmp0, $4  }
0x15: {  	[tilespmem:s22+$0x18130] =	vst v0  }
0x16: {  	[tilespmem:s22+$0x18140] =	vst v0  }
0x17: {  	[tilespmem:s22+$0x18150] =	vst v0  }
0x18: {  	[tilespmem:s22+$0x18160] =	vst v0;
	s22 =	sshra.s32 s23, $0x2;
	s23 =	sadd.s32 $0x200, s23  }
0x19: {  	[tilespmem:s22+$0x18170] =	vst v0  }
0x1a: {  	[tilespmem:s22+$0x18100] =	vst v0  }
0x1b: {  	[tilespmem:s22+$0x18110] =	vst v0  }
0x1c: {  	[tilespmem:s22+$0x18120] =	vst v0  }
0x1d: {  	[tilespmem:s22+$0x18130] =	vst v0  }
0x1e: {  	[tilespmem:s22+$0x18140] =	vst v0  }
0x1f: {  	[tilespmem:s22+$0x18150] =	vst v0  }
0x20: {  	[tilespmem:s22+$0x18160] =	vst v0  }
0x21: {  	[spmem:s5] =	stream.linear.scatter [tilespmem:s14], [sflag:$0x2], $0x4000, $0x38;
	[tilespmem:$0x1C100] =	vst v63  }
0x22: {  	_ =	swait.ge [sflag:s15], $0x4000  }
0x23: {  	[sflag:s15] =	ssyncset.done $0x0  }
0x24: {  	[sflag:s15] =	ssyncadd.s32 $0xFFFFC000  }
0x25: {  	[spmem:s6] =	stream.linear.scatter [tilespmem:s14], [sflag:$0x2], $0x4000, $0x38;
	[tilespmem:$0x1C100] =	vst v63  }
0x26: {  	_ =	swait.ge [sflag:s15], $0x4000  }
0x27: {  	[sflag:s15] =	ssyncset.done $0x0  }
0x28: {  	[sflag:s15] =	ssyncadd.s32 $0xFFFFC000  }
0x29: {  	[spmem:s7] =	stream.linear.scatter [tilespmem:s14], [sflag:$0x2], $0x4000, $0x38;
	[tilespmem:$0x1C100] =	vst v63  }
0x2a: {  	_ =	swait.ge [sflag:s15], $0x4000  }
0x2b: {  	[sflag:s15] =	ssyncset.done $0x0  }
0x2c: {  	[sflag:s15] =	ssyncadd.s32 $0xFFFFC000  }
0x2d: {  	[spmem:s8] =	stream.linear.scatter [tilespmem:s14], [sflag:$0x2], $0x4000, $0x38;
	[tilespmem:$0x1C100] =	vst v63  }
0x2e: {  	_ =	swait.ge [sflag:s15], $0x4000  }
0x2f: {  	[sflag:s15] =	ssyncset.done $0x0  }
0x30: {  	[sflag:s15] =	ssyncadd.s32 $0xFFFFC000  }
0x31: {  	[spmem:s9] =	stream.linear.scatter [tilespmem:s14], [sflag:$0x2], $0x4000, $0x38;
	[tilespmem:$0x1C100] =	vst v63  }
0x32: {  	_ =	swait.ge [sflag:s15], $0x4000  }
0x33: {  	[sflag:s15] =	ssyncset.done $0x0  }
0x34: {  	[sflag:s15] =	ssyncadd.s32 $0xFFFFC000  }
0x35: {  	s30 =	sadd.s32 $0x0, s13;
	[bflag:$0x0] =	sbarrier.arrive $0xFFFF  }
0x36: {  	[tilespmem:s16], [sflag:$0x2] =	stream.linear.gather [hbm4b:s30+s3], $0x80, $0x38;
	[tilespmem:$0x1C100] =	vst v63  }
0x37: {  	_ =	swait.ge [sflag:s15], $0x80  }
0x38: {  	[sflag:s15] =	ssyncset.done $0x0  }
0x39: {  	s31 =	sadd.s32 $0x0, s12;
	[sflag:s15] =	ssyncadd.s32 $0xFFFFFF80  }
0x3a: {  	[tilespmem:s17], [sflag:$0x2] =	stream.linear.gather [hbm4b:s31+s3], $0x80, $0x38;
	[tilespmem:$0x1C100] =	vst v63  }
0x3b: {  	_ =	swait.ge [sflag:s15], $0x80  }
0x3c: {  	[sflag:s15] =	ssyncset.done $0x0  }
0x3d: {  	[sflag:s15] =	ssyncadd.s32 $0xFFFFFF80  }
0x3e: {  	[tilespmem:s19], [sflag:$0x1] =	stream.indirect.gather [hbm4b:s4+s18], $0x80, s16, s18, $0xb8;
	[tilespmem:$0x1C100] =	vst v63  }
0x3f: {  	_ =	swait.ge [sflag:s20], $0x4000  }
0x40: {  	[sflag:s20] =	ssyncset.done $0x0  }
0x41: {  	[sflag:s20] =	ssyncadd.s32 $0xFFFFC000  }
0x42: {  	[spmem:s2] =	stream.indirect.scatter.add.f32 [tilespmem:s19], [sflag:$0x2], $0x80, s17, s18, $0xb8;
	[tilespmem:$0x1C100] =	vst v63  }
0x43: {  	_ =	swait.ge [sflag:s15], $0x4000  }
0x44: {  	s22 =	simm.s32 $0x10;
	s23 =	simm.s32 $0x20;
	[sflag:s15] =	ssyncset.done $0x0  }
.LBB2_4:
0x45: {  	s24 =	sadd.s32 s22, s13  }
0x46: {  	[sflag:s15] =	ssyncadd.s32 $0xFFFFC000;
	s25 =	smov.u32 s23;
	s26 =	sadd.s32 $0x10, s23  }
0x47: {  	[tilespmem:s16], [sflag:$0x2] =	stream.linear.gather [hbm4b:s24+s3], $0x80, $0x38;
	[tilespmem:$0x1C100] =	vst v63  }
0x48: {  	p0 =	sne.s32 s23, $0x4E0;
	_ =	swait.ge [sflag:s15], $0x80  }
0x49: {  	[sflag:s15] =	ssyncset.done $0x0  }
0x4a: {  	s23 =	sadd.s32 s22, s12;
	s22 =	smov.u32 s25;
	[sflag:s15] =	ssyncadd.s32 $0xFFFFFF80  }
0x4b: {  	[tilespmem:s17], [sflag:$0x2] =	stream.linear.gather [hbm4b:s23+s3], $0x80, $0x38;
	[tilespmem:$0x1C100] =	vst v63  }
0x4c: {  	_ =	swait.ge [sflag:s15], $0x80  }
0x4d: {  	[sflag:s15] =	ssyncset.done $0x0  }
0x4e: {  	[sflag:s15] =	ssyncadd.s32 $0xFFFFFF80  }
0x4f: {  	[tilespmem:s19], [sflag:$0x1] =	stream.indirect.gather [hbm4b:s4+s18], $0x80, s16, s18, $0xb8;
	[tilespmem:$0x1C100] =	vst v63  }
0x50: {  	_ =	swait.ge [sflag:s20], $0x4000  }
.Ltmp1:
0x51: {  	[sflag:s20] =	ssyncset.done $0x0;
	(pc) =	sbr.rel @p0 .LBB2_4-.Ltmp1, $4  }
0x52: {  	[sflag:s20] =	ssyncadd.s32 $0xFFFFC000  }
0x53: {  	[spmem:s2] =	stream.indirect.scatter.add.f32 [tilespmem:s19], [sflag:$0x2], $0x80, s17, s18, $0xb8;
	[tilespmem:$0x1C100] =	vst v63  }
0x54: {  	_ =	swait.ge [sflag:s15], $0x4000  }
0x55: {  	s23 =	smov.u32 s26;
	[sflag:s15] =	ssyncset.done $0x0  }
0x56: {  	s23 =	sadd.s32 s22, s13;
	[sflag:s15] =	ssyncadd.s32 $0xFFFFC000  }
0x57: {  	[tilespmem:s16], [sflag:$0x2] =	stream.linear.gather [hbm4b:s23+s3], $0x80, $0x38;
	[tilespmem:$0x1C100] =	vst v63  }
0x58: {  	_ =	swait.ge [sflag:s15], $0x80  }
0x59: {  	[sflag:s15] =	ssyncset.done $0x0  }
0x5a: {  	s29 =	sadd.s32 s22, s12;
	[sflag:s15] =	ssyncadd.s32 $0xFFFFFF80  }
0x5b: {  	[tilespmem:s17], [sflag:$0x2] =	stream.linear.gather [hbm4b:s29+s3], $0x80, $0x38;
	[tilespmem:$0x1C100] =	vst v63  }
0x5c: {  	_ =	swait.ge [sflag:s15], $0x80  }
0x5d: {  	[sflag:s15] =	ssyncset.done $0x0  }
0x5e: {  	[sflag:s15] =	ssyncadd.s32 $0xFFFFFF80  }
0x5f: {  	[tilespmem:s19], [sflag:$0x1] =	stream.indirect.gather [hbm4b:s4+s18], $0x80, s16, s18, $0xb8;
	[tilespmem:$0x1C100] =	vst v63  }
0x60: {  	_ =	swait.ge [sflag:s20], $0x4000  }
0x61: {  	[sflag:s20] =	ssyncset.done $0x0  }
0x62: {  	[sflag:s20] =	ssyncadd.s32 $0xFFFFC000  }
0x63: {  	[spmem:s2] =	stream.indirect.scatter.add.f32 [tilespmem:s19], [sflag:$0x2], $0x80, s17, s18, $0xb8;
	[tilespmem:$0x1C100] =	vst v63  }
0x64: {  	_ =	swait.ge [sflag:s15], $0x4000  }
0x65: {  	s30 =	sshll.u32 s0, $0x6;
	s21 =	sadd.s32 $0x1, s21;
	[sflag:s15] =	ssyncset.done $0x0  }
0x66: {  	s31 =	sshrl.u32 s5, $0x3;
	p0 =	sne.s32 s21, s11;
	[sflag:s15] =	ssyncadd.s32 $0xFFFFC000  }
.Ltmp2:
0x67: {  	s22 =	sor.u32 $0x1C02, s30;
	[bflag:$0x0] =	sbarrier.arrive $0xFFFF;
	(pc) =	sbr.rel @p0 .LBB2_1-.Ltmp2, $4  }
0x68: {  	[hbm:s10], [sflag:s22] =	dma.local [spmem:s31], $0x2800  }
0x69: {  	_ =	swait.ge [sflag:s15], $0x2800  }
0x6a: {  	[sflag:s15] =	ssyncset.done $0x0  }
0x6b: {  	[sflag:s15] =	ssyncadd.s32 $0xFFFFD800  }
0x6c: {  	_ =	sfence.sel $0x180000  }
0x6d: {  	[bflag:$0x0] =	sbarrier.arrive $0xFFFF  }
0x6e: {  	p0 =	sne.s32 s0, $0x0;
	_ =	strace $0x9000004A  }
0x6f: {  	s0 =	sadd.s32 @!p0 $0x100000, s1;
	[bflag:$0x2] =	sbarrier.arrive $0xFFFF  }
0x70: {  	[sflag:s0] =	ssyncadd.tile.s32 @!p0 $0x1;
	_ =	shalt  }
.Lfunc_end2:
_tile_overlayer_lowered:
.L_overlay_start_2:
0x71: {  	(tag) =	ssettag $0x2  }
0x72: {  	s0 =	rddreg [dreg:$0x0];
	s2 =	stileid.u32  }
0x73: {  	s1 =	rddreg [dreg:$0x1];
	p0 =	sne.s32 s2, $0x0  }
0x74: {  	s3 =	rddreg [dreg:$0x2];
	[bflag:$0x3] =	sbarrier.arrive $0xFFFF;
	s2 =	simm.s32 @!p0 $0x1C02  }
0x75: {  	[timem:s3], [sflag:s2] =	dma.local @!p0 [hbm:s0], s1  }
0x76: {  	s0 =	simm.s32 @!p0 $0x2  }
0x77: {  	_ =	swait.ge @!p0 [sflag:s0], s1  }
0x78: {  	s1 =	ssub.s32 @!p0 $0x0, s1;
	[sflag:s0] =	ssyncset.done @!p0 $0x0  }
0x79: {  	[sflag:s0] =	ssyncadd.s32 @!p0 s1  }
0x7a: {  	[bflag:$0x3] =	sbarrier.arrive $0xFFFF  }
0x7b: {  	_ =	shalt  }

// kernel: kernel.14.cloned.1.call-start
scs
__scs_entry_jumppad:
0x0: {  	(pc) =	sbr.rel $0x88, $3  }
0x1: {  	(tag) =	ssettag $0x0;
	lr =	simm.s32 $0x1  }
0x2: {  	[smem:$0x3F9B] =	sst lr;
	_ =	strace $0xD0000000  }
0x3: {  	_ = 	snop  }
0x4: {  	_ = 	snop  }
0x5: {  	_ = 	snop  }
0x6: {  	_ = 	snop  }
0x7: {  	_ = 	snop  }
__scs_overlays_trampoline_lowered:
0x8: {  	[smem:$0x3FAA] =	sst s0  }
0x9: {  	[smem:$0x3FAB] =	sst s1  }
0xa: {  	[smem:$0x3FAC] =	sst s2  }
0xb: {  	[smem:$0x3FAD] =	sst s3  }
0xc: {  	[smem:$0x3FAE] =	sst s4  }
0xd: {  	[smem:$0x3FAF] =	sst s5  }
0xe: {  	[smem:$0x3FB0] =	sst s6  }
0xf: {  	[smem:$0x3FB1] =	sst s7  }
0x10: {  	[smem:$0x3FB2] =	sst s8  }
0x11: {  	[smem:$0x3FB3] =	sst s9;
	s0 =	simm.s32 @!p0 $0x0  }
0x12: {  	s1 =	sld [smem:$0x3F99];
	s0 =	simm.s32 @p0 $0x1  }
0x13: {  	[smem:$0x3FB4] =	sst s0;
	s0 =	simm.s32 @!p1 $0x0  }
0x14: {  	s2 =	sld [smem:$0x3F98];
	s0 =	simm.s32 @p1 $0x1  }
0x15: {  	[smem:$0x3FB5] =	sst s0;
	s0 =	simm.s32 @!p2 $0x0  }
0x16: {  	s3 =	sld [smem:$0x3FDB];
	s0 =	simm.s32 @p2 $0x1  }
0x17: {  	s4 =	simm.s32 $0x1BF5;
	[smem:$0x3FB7] =	sst s0  }
0x18: {  	s0 =	sld [smem:$0x3F9A];
	_ =	swait.ge [sflag:s4], $0x0  }
0x19: {  	s7 =	sld [smem:$0x3F9B]  }
0x1a: {  	s8 =	sadd.s32 $0xFFFFE003, lr  }
0x1b: {  	s9 =	sadd.s32 $0xFFFFFEF7, lr;
	s5 =	simm.s32 $0xFFFFFFFF;
	p2 =	slt.u32 s8, $0xFFFFF086  }
0x1c: {  	p1 =	slt.u32 s9, $0xF7A;
	s5 =	simm.s32 @!p2 $0x0  }
0x1d: {  	s5 =	simm.s32 @p1 $0x1;
	p0 =	seq.s32 s7, s2  }
0x1e: {  	s7 =	smul.u32 @!p0 $0xF7A, s2;
	p2 =	seq.s32 @!p0 s5, $0x0  }
0x1f: {  	s9 =	smul.u32 $0xF7A, s1;
	s8 =	simm.s32 @!p0 $0x1BF5;
	p2 =	por !p2, p0  }
0x20: {  	[sflag:s8] =	ssyncset.s32 @!p0 $0xFFFFF086;
	s6 =	sadd.s32 @!p0 s3, s7;
	s7 =	simm.s32 @!p0 $0x108  }
0x21: {  	s3 =	sadd.s32 s3, s9;
	s6 =	sadd.s32 @!p0 $0x88, s6;
	s7 =	simm.s32 @p2 $0x1082  }
0x22: {  	[simem:s7], [sflag:s8] =	dma.local @!p0 [hbm:s6], $0xF7A  }
0x23: {  	s9 =	sor.u32 $0xD0000000, s2;
	s6 =	simm.s32 $0x108;
	_ =	swait.ge @!p0 [sflag:s8], $0x0  }
0x24: {  	s3 =	sadd.s32 $0x88, s3;
	s6 =	simm.s32 @!p1 $0x1082;
	[sflag:s4] =	ssyncset.s32 $0xFFFFF086  }
0x25: {  	[simem:s6], [sflag:s4] =	dma.local [hbm:s3], $0xF7A  }
0x26: {  	[smem:$0x3F9B] =	sst s1;
	(tag) =	ssettag s2;
	_ =	strace s9  }
0x27: {  	s1 =	sld [smem:$0x3FAB]  }
0x28: {  	s2 =	sld [smem:$0x3FAC]  }
0x29: {  	s4 =	sld [smem:$0x3FAE]  }
0x2a: {  	p0 =	seq.s32 s5, $0x0;
	s5 =	sld [smem:$0x3FAF]  }
0x2b: {  	s6 =	sld [smem:$0x3FB0]  }
0x2c: {  	s7 =	sld [smem:$0x3FB1]  }
0x2d: {  	s3 =	simm.s32 $0x108;
	s8 =	sld [smem:$0x3FB2]  }
0x2e: {  	s3 =	simm.s32 @!p0 $0x1082;
	s9 =	sld [smem:$0x3FB3]  }
0x2f: {  	lr =	sadd.s32 s0, s3;
	s0 =	sld [smem:$0x3FAA]  }
0x30: {  	s3 =	sld [smem:$0x3FAD]  }
0x31: {  	[smem:$0x3FB6] =	sst s10  }
0x32: {  	s10 =	sld [smem:$0x3FB4];
	_ =	sdelay $0x3  }
0x33: {  	p0 =	seq.s32 s10, $0x1;
	s10 =	sld [smem:$0x3FB6];
	_ =	sdelay $0x3  }
0x34: {  	[smem:$0x3FB6] =	sst s10  }
0x35: {  	s10 =	sld [smem:$0x3FB5];
	_ =	sdelay $0x3  }
0x36: {  	p1 =	seq.s32 s10, $0x1;
	s10 =	sld [smem:$0x3FB6];
	_ =	sdelay $0x3  }
0x37: {  	[smem:$0x3FB6] =	sst s10  }
0x38: {  	s10 =	sld [smem:$0x3FB7]  }
0x39: {  	_ = 	snop;
	(pc) =	sbr.ind lr, $3  }
0x3a: {  	_ = 	snop  }
0x3b: {  	_ = 	snop  }
0x3c: {  	p2 =	seq.s32 s10, $0x1;
	s10 =	sld [smem:$0x3FB6]  }
0x3d: {  	_ =	shalt  }
0x3e: {  	_ =	shalt  }
0x3f: {  	_ =	shalt  }
0x40: {  	_ =	shalt  }
0x41: {  	_ =	shalt  }
0x42: {  	_ =	shalt  }
0x43: {  	_ =	shalt  }
0x44: {  	_ =	shalt  }
0x45: {  	_ =	shalt  }
0x46: {  	_ =	shalt  }
0x47: {  	_ =	shalt  }
0x48: {  	_ =	shalt  }
0x49: {  	_ =	shalt  }
0x4a: {  	_ =	shalt  }
0x4b: {  	_ =	shalt  }
0x4c: {  	_ =	shalt  }
0x4d: {  	_ =	shalt  }
0x4e: {  	_ =	shalt  }
0x4f: {  	_ =	shalt  }
0x50: {  	_ =	shalt  }
0x51: {  	_ =	shalt  }
0x52: {  	_ =	shalt  }
0x53: {  	_ =	shalt  }
0x54: {  	_ =	shalt  }
0x55: {  	_ =	shalt  }
0x56: {  	_ =	shalt  }
0x57: {  	_ =	shalt  }
0x58: {  	_ =	shalt  }
0x59: {  	_ =	shalt  }
0x5a: {  	_ =	shalt  }
0x5b: {  	_ =	shalt  }
0x5c: {  	_ =	shalt  }
0x5d: {  	_ =	shalt  }
0x5e: {  	_ =	shalt  }
0x5f: {  	_ =	shalt  }
0x60: {  	_ =	shalt  }
0x61: {  	_ =	shalt  }
0x62: {  	_ =	shalt  }
0x63: {  	_ =	shalt  }
0x64: {  	_ =	shalt  }
0x65: {  	_ =	shalt  }
0x66: {  	_ =	shalt  }
0x67: {  	_ =	shalt  }
0x68: {  	_ =	shalt  }
0x69: {  	_ =	shalt  }
0x6a: {  	_ =	shalt  }
0x6b: {  	_ =	shalt  }
0x6c: {  	_ =	shalt  }
0x6d: {  	_ =	shalt  }
0x6e: {  	_ =	shalt  }
0x6f: {  	_ =	shalt  }
0x70: {  	_ =	shalt  }
0x71: {  	_ =	shalt  }
0x72: {  	_ =	shalt  }
0x73: {  	_ =	shalt  }
0x74: {  	_ =	shalt  }
0x75: {  	_ =	shalt  }
0x76: {  	_ =	shalt  }
0x77: {  	_ =	shalt  }
0x78: {  	_ =	shalt  }
0x79: {  	_ =	shalt  }
0x7a: {  	_ =	shalt  }
0x7b: {  	_ =	shalt  }
0x7c: {  	_ =	shalt  }
0x7d: {  	_ =	shalt  }
0x7e: {  	_ =	shalt  }
0x7f: {  	_ =	shalt  }
0x80: {  	_ =	shalt  }
0x81: {  	_ =	shalt  }
0x82: {  	_ =	shalt  }
0x83: {  	_ =	shalt  }
0x84: {  	_ =	shalt  }
0x85: {  	_ =	shalt  }
0x86: {  	_ =	shalt  }
0x87: {  	_ =	shalt  }
.Lfunc_end0:
.L_simem_size_0:
called_computation.2_lowered:
.L_overlay_start_0:
0x88: {  	s2 =	sld [smem:$0x3FD9]  }
0x89: {  	s3 =	sld [smem:$0x3FFE];
	_ =	sdelay $0x1  }
0x8a: {  	s1 =	srdreg.scid  }
0x8b: {  	s0 =	sand.u32 $0x1, s1  }
0x8c: {  	s17 =	sshll.u32 s0, $0xA;
	s2 =	sadd.s32 s3, s2  }
0x8d: {  	s2 =	sadd.s32 s2, s17  }
0x8e: {  	[smem:$0x3FC2] =	sst s2  }
0x8f: {  	_ = 	snop  }
0x90: {  	s2 =	sld [smem:$0x3FD0];
	(tm) =	ssettm $0x1  }
0x91: {  	s18 =	sld [smem:$0x3FFB];
	_ =	sdelay $0x3  }
0x92: {  	_ =	strace s18  }
0x93: {  	s3 =	sld [smem:$0x3FFC];
	_ =	sdelay $0x3  }
0x94: {  	_ =	strace s3  }
0x95: {  	s3 =	sld [smem:$0x3FFD];
	_ =	sdelay $0x3  }
0x96: {  	_ =	strace s3  }
0x97: {  	_ =	strace $0x8FFFFFFF  }
0x98: {  	s19 =	sld [smem:$0x3FDB];
	_ =	sdelay $0x1  }
0x99: {  	s4 =	simm.s32 $_scs_section_size  }
0x9a: {  	s5 =	simm.s32 $_size__tile_overlayer_lowered;
	s6 =	simm.s32 $_tile_overlayer_lowered  }
0x9b: {  	s22 =	simm.s32 $0x1BFF;
	s21 =	sshll.u32 s6, $0x1;
	s3 =	sadd.s32 s4, s19  }
0x9c: {  	s7 =	simm.s32 $0x0;
	s20 =	sshll.u32 s5, $0x1;
	s5 =	sadd.s32 s21, s3  }
0x9d: {  	[timem:s7], [sflag:s22] =	dma.local [hbm:s5], s20  }
0x9e: {  	_ =	swait.ge [sflag:s22], s20  }
0x9f: {  	s4 =	ssub.s32 $0x0, s20;
	[sflag:s22] =	ssyncset.done $0x0  }
0xa0: {  	[sflag:s22] =	ssyncadd.s32 s4;
	_ =	sdelay $0x1  }
0xa1: {  	s23 =	simm.s32 $0x1B8B  }
0xa2: {  	_ =	swait.ge [sflag:s23], $0x1  }
0xa3: {  	[sflag:s23] =	ssyncset.done $0x0  }
0xa4: {  	s25 =	simm.s32 $0x1B8E;
	s24 =	sld [smem:$0x3FFE];
	[sflag:s23] =	ssyncadd.s32 $0xFFFFFFFF  }
0xa5: {  	s26 =	simm.s32 $execute0_lowered;
	[smem:$0x3FD2] =	sst s25  }
0xa6: {  	s5 =	sshll.u32 s26, $0x1;
	_ =	strace $0x8000004C;
	[dreg:$0x1] =	wrdreg $0xFFFFFFFF  }
0xa7: {  	s28 =	simm.s32 $_size_execute0_lowered;
	s3 =	sadd.s32 s3, s5;
	[dreg:$0x0] =	wrdreg $0x0  }
0xa8: {  	s5 =	sshll.u32 s28, $0x1;
	[dreg:$0x2] =	wrdreg s3  }
0xa9: {  	[dreg:$0x3] =	wrdreg s5  }
0xaa: {  	[dreg:$0x4] =	wrdreg $0xC0  }
0xab: {  	_ =	task [dreg:s7], $0x5FFFF  }
0xac: {  	[dreg:$0x1] =	wrdreg $0xFFFFFFFF  }
0xad: {  	[dreg:$0x0] =	wrdreg $0x60  }
0xae: {  	[dreg:$0x2] =	wrdreg s24  }
0xaf: {  	[dreg:$0x3] =	wrdreg s2  }
0xb0: {  	[dreg:$0x4] =	wrdreg $0x0  }
0xb1: {  	[dreg:$0x5] =	wrdreg $0x9  }
0xb2: {  	_ =	task.clear_ibuf [dreg:s7], $0x6FFFF;
	_ =	strace $0x9000004C  }
0xb3: {  	s29 =	simm.s32 $0x9;
	_ =	strace $0x8000004E  }
0xb4: {  	_ =	swait.ge [sflag:s29], $0x1  }
0xb5: {  	[sflag:s29] =	ssyncadd.s32 $0xFFFFFFFF  }
0xb6: {  	_ =	strace $0x9000004E  }
0xb7: {  	_ =	sfence  }
0xb8: {  	s30 =	sld [smem:$0x0];
	_ =	sdelay $0x2  }
0xb9: {  	s31 =	sshll.u32 s1, $0xD;
	s1 =	sshrl.u32 s1, $0x2  }
0xba: {  	s3 =	sand.u32 $0x4000, s31;
	s1 =	sadd.s32 s1, s30  }
0xbb: {  	s0 =	sor.u32 s3, s0;
	s1 =	sshll.u32 s1, $0x11  }
0xbc: {  	s0 =	sor.u32 s1, s0  }
0xbd: {  	s0 =	sadd.s32 $0x8F2B, s0  }
0xbe: {  	[sflag:s0] =	ssyncadd.remote.s32 $0x1  }
0xbf: {  	_ =	sfence.sel $0xFFFF  }
0xc0: {  	[dreg:$0x0] =	wrdreg $0xFFFFFFFF;
	(pc) =	sbr.abs _section_cstart, $3  }
0xc1: {  	[dreg:$0x1] =	wrdreg $0xFFFFFFFF  }
0xc2: {  	_ =	task.clear_ibuf [dreg:s7], $0x2FFFF;
	_ =	strace $0x9FFFFFFF  }
0xc3: {  	(tm) =	ssettm $0x7FFFFFFF  }
tec
execute0_lowered:
.L_overlay_start_1:
0x0: {  	(tag) =	ssettag $0x1  }
0x1: {  	s6 =	rddreg [dreg:$0x0];
	s0 =	stileid.u32  }
0x2: {  	s1 =	srdreg.scid;
	s11 =	rddreg [dreg:$0x1]  }
0x3: {  	s2 =	rddreg [dreg:$0x2];
	s3 =	simm.s32 $0x0;
	s16 =	simm.s32 $0x14000  }
0x4: {  	s17 =	simm.s32 $0x14080;
	s18 =	simm.s32 $0x80;
	s19 =	simm.s32 $0x14100  }
0x5: {  	s20 =	simm.s32 $0x1;
	s21 =	simm.s32 $0x0;
	s12 =	smul.u32 $0x9E0, s0  }
0x6: {  	s9 =	sand.u32 $0x1, s1;
	s1 =	rddreg [dreg:$0x3];
	s7 =	smul.u32 $0x14000, s0  }
0x7: {  	[smem:$0x7FF] =	sst s3;
	s8 =	smul.u32 $0x50000, s0;
	s4 =	sadd.s32 $0x5C000, s6  }
0x8: {  	s5 =	smul.u32 $0x140000, s9;
	_ =	strace $0x8000004D;
	s31 =	ssub.s32 $0x2, s9  }
0x9: {  	s15 =	smul.u32 $0x4F0, s9;
	s13 =	sadd.s32 s12, s6;
	s8 =	sshrl.u32 s8, $0x2  }
0xa: {  	s14 =	sshrl.u32 s31, $0x1;
	s12 =	sadd.s32 s12, s11;
	s5 =	sadd.s32 s7, s5  }
0xb: {  	s14 =	ssub.s32 s31, s14;
	s12 =	sadd.s32 s15, s12;
	s13 =	sadd.s32 s15, s13  }
0xc: {  	s15 =	simm.s32 $0x2;
	s10 =	sshrl.u32 s5, $0x3;
	s5 =	sadd.s32 s8, s2  }
0xd: {  	s11 =	smax.u32 s14, $0x1;
	s13 =	sadd.s32 $0x52200, s13;
	s14 =	simm.s32 $0x18100  }
0xe: {  	s10 =	sadd.s32 s10, s6;
	s6 =	sadd.s32 $0x4000, s5;
	s7 =	sadd.s32 $0x8000, s5  }
0xf: {  	v0 =	vimm.f32 $0.0e+00;
	s8 =	sadd.s32 $0xC000, s5;
	s9 =	sadd.s32 $0x10000, s5;
	s10 =	sadd.s32 $0x84000, s10  }
.LBB2_1:
0x10: {  	s22 =	simm.s32 $0x0;
	s23 =	simm.s32 $0x200  }
.LBB2_2:
0x11: {  	p0 =	sne.s32 s23, $0xFE00;
	[tilespmem:s22+$0x18170] =	vst v0  }
0x12: {  	[tilespmem:s22+$0x18100] =	vst v0  }
0x13: {  	[tilespmem:s22+$0x18110] =	vst v0  }
.Ltmp0:
0x14: {  	[tilespmem:s22+$0x18120] =	vst v0;
	(pc) =	sbr.rel @p0 .LBB2_2-.Ltmp0, $4  }
0x15: {  	[tilespmem:s22+$0x18130] =	vst v0  }
0x16: {  	[tilespmem:s22+$0x18140] =	vst v0  }
0x17: {  	[tilespmem:s22+$0x18150] =	vst v0  }
0x18: {  	[tilespmem:s22+$0x18160] =	vst v0;
	s22 =	sshra.s32 s23, $0x2;
	s23 =	sadd.s32 $0x200, s23  }
0x19: {  	[tilespmem:s22+$0x18170] =	vst v0  }
0x1a: {  	[tilespmem:s22+$0x18100] =	vst v0  }
0x1b: {  	[tilespmem:s22+$0x18110] =	vst v0  }
0x1c: {  	[tilespmem:s22+$0x18120] =	vst v0  }
0x1d: {  	[tilespmem:s22+$0x18130] =	vst v0  }
0x1e: {  	[tilespmem:s22+$0x18140] =	vst v0  }
0x1f: {  	[tilespmem:s22+$0x18150] =	vst v0  }
0x20: {  	[tilespmem:s22+$0x18160] =	vst v0  }
0x21: {  	[spmem:s5] =	stream.linear.scatter [tilespmem:s14], [sflag:$0x2], $0x4000, $0x38;
	[tilespmem:$0x1C100] =	vst v63  }
0x22: {  	_ =	swait.ge [sflag:s15], $0x4000  }
0x23: {  	[sflag:s15] =	ssyncset.done $0x0  }
0x24: {  	[sflag:s15] =	ssyncadd.s32 $0xFFFFC000  }
0x25: {  	[spmem:s6] =	stream.linear.scatter [tilespmem:s14], [sflag:$0x2], $0x4000, $0x38;
	[tilespmem:$0x1C100] =	vst v63  }
0x26: {  	_ =	swait.ge [sflag:s15], $0x4000  }
0x27: {  	[sflag:s15] =	ssyncset.done $0x0  }
0x28: {  	[sflag:s15] =	ssyncadd.s32 $0xFFFFC000  }
0x29: {  	[spmem:s7] =	stream.linear.scatter [tilespmem:s14], [sflag:$0x2], $0x4000, $0x38;
	[tilespmem:$0x1C100] =	vst v63  }
0x2a: {  	_ =	swait.ge [sflag:s15], $0x4000  }
0x2b: {  	[sflag:s15] =	ssyncset.done $0x0  }
0x2c: {  	[sflag:s15] =	ssyncadd.s32 $0xFFFFC000  }
0x2d: {  	[spmem:s8] =	stream.linear.scatter [tilespmem:s14], [sflag:$0x2], $0x4000, $0x38;
	[tilespmem:$0x1C100] =	vst v63  }
0x2e: {  	_ =	swait.ge [sflag:s15], $0x4000  }
0x2f: {  	[sflag:s15] =	ssyncset.done $0x0  }
0x30: {  	[sflag:s15] =	ssyncadd.s32 $0xFFFFC000  }
0x31: {  	[spmem:s9] =	stream.linear.scatter [tilespmem:s14], [sflag:$0x2], $0x4000, $0x38;
	[tilespmem:$0x1C100] =	vst v63  }
0x32: {  	_ =	swait.ge [sflag:s15], $0x4000  }
0x33: {  	[sflag:s15] =	ssyncset.done $0x0  }
0x34: {  	[sflag:s15] =	ssyncadd.s32 $0xFFFFC000  }
0x35: {  	s30 =	sadd.s32 $0x0, s13;
	[bflag:$0x0] =	sbarrier.arrive $0xFFFF  }
0x36: {  	[tilespmem:s16], [sflag:$0x2] =	stream.linear.gather [hbm4b:s30+s3], $0x80, $0x38;
	[tilespmem:$0x1C100] =	vst v63  }
0x37: {  	_ =	swait.ge [sflag:s15], $0x80  }
0x38: {  	[sflag:s15] =	ssyncset.done $0x0  }
0x39: {  	s31 =	sadd.s32 $0x0, s12;
	[sflag:s15] =	ssyncadd.s32 $0xFFFFFF80  }
0x3a: {  	[tilespmem:s17], [sflag:$0x2] =	stream.linear.gather [hbm4b:s31+s3], $0x80, $0x38;
	[tilespmem:$0x1C100] =	vst v63  }
0x3b: {  	_ =	swait.ge [sflag:s15], $0x80  }
0x3c: {  	[sflag:s15] =	ssyncset.done $0x0  }
0x3d: {  	[sflag:s15] =	ssyncadd.s32 $0xFFFFFF80  }
0x3e: {  	[tilespmem:s19], [sflag:$0x1] =	stream.indirect.gather [hbm4b:s4+s18], $0x80, s16, s18, $0xb8;
	[tilespmem:$0x1C100] =	vst v63  }
0x3f: {  	_ =	swait.ge [sflag:s20], $0x4000  }
0x40: {  	[sflag:s20] =	ssyncset.done $0x0  }
0x41: {  	[sflag:s20] =	ssyncadd.s32 $0xFFFFC000  }
0x42: {  	[spmem:s2] =	stream.indirect.scatter.add.f32 [tilespmem:s19], [sflag:$0x2], $0x80, s17, s18, $0xb8;
	[tilespmem:$0x1C100] =	vst v63  }
0x43: {  	_ =	swait.ge [sflag:s15], $0x4000  }
0x44: {  	s22 =	simm.s32 $0x10;
	s23 =	simm.s32 $0x20;
	[sflag:s15] =	ssyncset.done $0x0  }
.LBB2_4:
0x45: {  	s24 =	sadd.s32 s22, s13  }
0x46: {  	[sflag:s15] =	ssyncadd.s32 $0xFFFFC000;
	s25 =	smov.u32 s23;
	s26 =	sadd.s32 $0x10, s23  }
0x47: {  	[tilespmem:s16], [sflag:$0x2] =	stream.linear.gather [hbm4b:s24+s3], $0x80, $0x38;
	[tilespmem:$0x1C100] =	vst v63  }
0x48: {  	p0 =	sne.s32 s23, $0x4E0;
	_ =	swait.ge [sflag:s15], $0x80  }
0x49: {  	[sflag:s15] =	ssyncset.done $0x0  }
0x4a: {  	s23 =	sadd.s32 s22, s12;
	s22 =	smov.u32 s25;
	[sflag:s15] =	ssyncadd.s32 $0xFFFFFF80  }
0x4b: {  	[tilespmem:s17], [sflag:$0x2] =	stream.linear.gather [hbm4b:s23+s3], $0x80, $0x38;
	[tilespmem:$0x1C100] =	vst v63  }
0x4c: {  	_ =	swait.ge [sflag:s15], $0x80  }
0x4d: {  	[sflag:s15] =	ssyncset.done $0x0  }
0x4e: {  	[sflag:s15] =	ssyncadd.s32 $0xFFFFFF80  }
0x4f: {  	[tilespmem:s19], [sflag:$0x1] =	stream.indirect.gather [hbm4b:s4+s18], $0x80, s16, s18, $0xb8;
	[tilespmem:$0x1C100] =	vst v63  }
0x50: {  	_ =	swait.ge [sflag:s20], $0x4000  }
.Ltmp1:
0x51: {  	[sflag:s20] =	ssyncset.done $0x0;
	(pc) =	sbr.rel @p0 .LBB2_4-.Ltmp1, $4  }
0x52: {  	[sflag:s20] =	ssyncadd.s32 $0xFFFFC000  }
0x53: {  	[spmem:s2] =	stream.indirect.scatter.add.f32 [tilespmem:s19], [sflag:$0x2], $0x80, s17, s18, $0xb8;
	[tilespmem:$0x1C100] =	vst v63  }
0x54: {  	_ =	swait.ge [sflag:s15], $0x4000  }
0x55: {  	s23 =	smov.u32 s26;
	[sflag:s15] =	ssyncset.done $0x0  }
0x56: {  	s23 =	sadd.s32 s22, s13;
	[sflag:s15] =	ssyncadd.s32 $0xFFFFC000  }
0x57: {  	[tilespmem:s16], [sflag:$0x2] =	stream.linear.gather [hbm4b:s23+s3], $0x80, $0x38;
	[tilespmem:$0x1C100] =	vst v63  }
0x58: {  	_ =	swait.ge [sflag:s15], $0x80  }
0x59: {  	[sflag:s15] =	ssyncset.done $0x0  }
0x5a: {  	s29 =	sadd.s32 s22, s12;
	[sflag:s15] =	ssyncadd.s32 $0xFFFFFF80  }
0x5b: {  	[tilespmem:s17], [sflag:$0x2] =	stream.linear.gather [hbm4b:s29+s3], $0x80, $0x38;
	[tilespmem:$0x1C100] =	vst v63  }
0x5c: {  	_ =	swait.ge [sflag:s15], $0x80  }
0x5d: {  	[sflag:s15] =	ssyncset.done $0x0  }
0x5e: {  	[sflag:s15] =	ssyncadd.s32 $0xFFFFFF80  }
0x5f: {  	[tilespmem:s19], [sflag:$0x1] =	stream.indirect.gather [hbm4b:s4+s18], $0x80, s16, s18, $0xb8;
	[tilespmem:$0x1C100] =	vst v63  }
0x60: {  	_ =	swait.ge [sflag:s20], $0x4000  }
0x61: {  	[sflag:s20] =	ssyncset.done $0x0  }
0x62: {  	[sflag:s20] =	ssyncadd.s32 $0xFFFFC000  }
0x63: {  	[spmem:s2] =	stream.indirect.scatter.add.f32 [tilespmem:s19], [sflag:$0x2], $0x80, s17, s18, $0xb8;
	[tilespmem:$0x1C100] =	vst v63  }
0x64: {  	_ =	swait.ge [sflag:s15], $0x4000  }
0x65: {  	s30 =	sshll.u32 s0, $0x6;
	s21 =	sadd.s32 $0x1, s21;
	[sflag:s15] =	ssyncset.done $0x0  }
0x66: {  	s31 =	sshrl.u32 s5, $0x3;
	p0 =	sne.s32 s21, s11;
	[sflag:s15] =	ssyncadd.s32 $0xFFFFC000  }
.Ltmp2:
0x67: {  	s22 =	sor.u32 $0x1C02, s30;
	[bflag:$0x0] =	sbarrier.arrive $0xFFFF;
	(pc) =	sbr.rel @p0 .LBB2_1-.Ltmp2, $4  }
0x68: {  	[hbm:s10], [sflag:s22] =	dma.local [spmem:s31], $0x2800  }
0x69: {  	_ =	swait.ge [sflag:s15], $0x2800  }
0x6a: {  	[sflag:s15] =	ssyncset.done $0x0  }
0x6b: {  	[sflag:s15] =	ssyncadd.s32 $0xFFFFD800  }
0x6c: {  	_ =	sfence.sel $0x180000  }
0x6d: {  	[bflag:$0x0] =	sbarrier.arrive $0xFFFF  }
0x6e: {  	p0 =	sne.s32 s0, $0x0;
	_ =	strace $0x9000004D  }
0x6f: {  	s0 =	sadd.s32 @!p0 $0x100000, s1;
	[bflag:$0x2] =	sbarrier.arrive $0xFFFF  }
0x70: {  	[sflag:s0] =	ssyncadd.tile.s32 @!p0 $0x1;
	_ =	shalt  }
.Lfunc_end2:
_tile_overlayer_lowered:
.L_overlay_start_2:
0x71: {  	(tag) =	ssettag $0x2  }
0x72: {  	s0 =	rddreg [dreg:$0x0];
	s2 =	stileid.u32  }
0x73: {  	s1 =	rddreg [dreg:$0x1];
	p0 =	sne.s32 s2, $0x0  }
0x74: {  	s3 =	rddreg [dreg:$0x2];
	[bflag:$0x3] =	sbarrier.arrive $0xFFFF;
	s2 =	simm.s32 @!p0 $0x1C02  }
0x75: {  	[timem:s3], [sflag:s2] =	dma.local @!p0 [hbm:s0], s1  }
0x76: {  	s0 =	simm.s32 @!p0 $0x2  }
0x77: {  	_ =	swait.ge @!p0 [sflag:s0], s1  }
0x78: {  	s1 =	ssub.s32 @!p0 $0x0, s1;
	[sflag:s0] =	ssyncset.done @!p0 $0x0  }
0x79: {  	[sflag:s0] =	ssyncadd.s32 @!p0 s1  }
0x7a: {  	[bflag:$0x3] =	sbarrier.arrive $0xFFFF  }
0x7b: {  	_ =	shalt  }

// kernel: kernel.8.cloned.1.call-start
scs
__scs_entry_jumppad:
0x0: {  	(pc) =	sbr.rel $0x88, $3  }
0x1: {  	(tag) =	ssettag $0x0;
	lr =	simm.s32 $0x1  }
0x2: {  	[smem:$0x3F9B] =	sst lr;
	_ =	strace $0xD0000000  }
0x3: {  	_ = 	snop  }
0x4: {  	_ = 	snop  }
0x5: {  	_ = 	snop  }
0x6: {  	_ = 	snop  }
0x7: {  	_ = 	snop  }
__scs_overlays_trampoline_lowered:
0x8: {  	[smem:$0x3FAA] =	sst s0  }
0x9: {  	[smem:$0x3FAB] =	sst s1  }
0xa: {  	[smem:$0x3FAC] =	sst s2  }
0xb: {  	[smem:$0x3FAD] =	sst s3  }
0xc: {  	[smem:$0x3FAE] =	sst s4  }
0xd: {  	[smem:$0x3FAF] =	sst s5  }
0xe: {  	[smem:$0x3FB0] =	sst s6  }
0xf: {  	[smem:$0x3FB1] =	sst s7  }
0x10: {  	[smem:$0x3FB2] =	sst s8  }
0x11: {  	[smem:$0x3FB3] =	sst s9;
	s0 =	simm.s32 @!p0 $0x0  }
0x12: {  	s1 =	sld [smem:$0x3F99];
	s0 =	simm.s32 @p0 $0x1  }
0x13: {  	[smem:$0x3FB4] =	sst s0;
	s0 =	simm.s32 @!p1 $0x0  }
0x14: {  	s2 =	sld [smem:$0x3F98];
	s0 =	simm.s32 @p1 $0x1  }
0x15: {  	[smem:$0x3FB5] =	sst s0;
	s0 =	simm.s32 @!p2 $0x0  }
0x16: {  	s3 =	sld [smem:$0x3FDB];
	s0 =	simm.s32 @p2 $0x1  }
0x17: {  	s4 =	simm.s32 $0x1BF5;
	[smem:$0x3FB7] =	sst s0  }
0x18: {  	s0 =	sld [smem:$0x3F9A];
	_ =	swait.ge [sflag:s4], $0x0  }
0x19: {  	s7 =	sld [smem:$0x3F9B]  }
0x1a: {  	s8 =	sadd.s32 $0xFFFFE003, lr  }
0x1b: {  	s9 =	sadd.s32 $0xFFFFFEF7, lr;
	s5 =	simm.s32 $0xFFFFFFFF;
	p2 =	slt.u32 s8, $0xFFFFF086  }
0x1c: {  	p1 =	slt.u32 s9, $0xF7A;
	s5 =	simm.s32 @!p2 $0x0  }
0x1d: {  	s5 =	simm.s32 @p1 $0x1;
	p0 =	seq.s32 s7, s2  }
0x1e: {  	s7 =	smul.u32 @!p0 $0xF7A, s2;
	p2 =	seq.s32 @!p0 s5, $0x0  }
0x1f: {  	s9 =	smul.u32 $0xF7A, s1;
	s8 =	simm.s32 @!p0 $0x1BF5;
	p2 =	por !p2, p0  }
0x20: {  	[sflag:s8] =	ssyncset.s32 @!p0 $0xFFFFF086;
	s6 =	sadd.s32 @!p0 s3, s7;
	s7 =	simm.s32 @!p0 $0x108  }
0x21: {  	s3 =	sadd.s32 s3, s9;
	s6 =	sadd.s32 @!p0 $0x88, s6;
	s7 =	simm.s32 @p2 $0x1082  }
0x22: {  	[simem:s7], [sflag:s8] =	dma.local @!p0 [hbm:s6], $0xF7A  }
0x23: {  	s9 =	sor.u32 $0xD0000000, s2;
	s6 =	simm.s32 $0x108;
	_ =	swait.ge @!p0 [sflag:s8], $0x0  }
0x24: {  	s3 =	sadd.s32 $0x88, s3;
	s6 =	simm.s32 @!p1 $0x1082;
	[sflag:s4] =	ssyncset.s32 $0xFFFFF086  }
0x25: {  	[simem:s6], [sflag:s4] =	dma.local [hbm:s3], $0xF7A  }
0x26: {  	[smem:$0x3F9B] =	sst s1;
	(tag) =	ssettag s2;
	_ =	strace s9  }
0x27: {  	s1 =	sld [smem:$0x3FAB]  }
0x28: {  	s2 =	sld [smem:$0x3FAC]  }
0x29: {  	s4 =	sld [smem:$0x3FAE]  }
0x2a: {  	p0 =	seq.s32 s5, $0x0;
	s5 =	sld [smem:$0x3FAF]  }
0x2b: {  	s6 =	sld [smem:$0x3FB0]  }
0x2c: {  	s7 =	sld [smem:$0x3FB1]  }
0x2d: {  	s3 =	simm.s32 $0x108;
	s8 =	sld [smem:$0x3FB2]  }
0x2e: {  	s3 =	simm.s32 @!p0 $0x1082;
	s9 =	sld [smem:$0x3FB3]  }
0x2f: {  	lr =	sadd.s32 s0, s3;
	s0 =	sld [smem:$0x3FAA]  }
0x30: {  	s3 =	sld [smem:$0x3FAD]  }
0x31: {  	[smem:$0x3FB6] =	sst s10  }
0x32: {  	s10 =	sld [smem:$0x3FB4];
	_ =	sdelay $0x3  }
0x33: {  	p0 =	seq.s32 s10, $0x1;
	s10 =	sld [smem:$0x3FB6];
	_ =	sdelay $0x3  }
0x34: {  	[smem:$0x3FB6] =	sst s10  }
0x35: {  	s10 =	sld [smem:$0x3FB5];
	_ =	sdelay $0x3  }
0x36: {  	p1 =	seq.s32 s10, $0x1;
	s10 =	sld [smem:$0x3FB6];
	_ =	sdelay $0x3  }
0x37: {  	[smem:$0x3FB6] =	sst s10  }
0x38: {  	s10 =	sld [smem:$0x3FB7]  }
0x39: {  	_ = 	snop;
	(pc) =	sbr.ind lr, $3  }
0x3a: {  	_ = 	snop  }
0x3b: {  	_ = 	snop  }
0x3c: {  	p2 =	seq.s32 s10, $0x1;
	s10 =	sld [smem:$0x3FB6]  }
0x3d: {  	_ =	shalt  }
0x3e: {  	_ =	shalt  }
0x3f: {  	_ =	shalt  }
0x40: {  	_ =	shalt  }
0x41: {  	_ =	shalt  }
0x42: {  	_ =	shalt  }
0x43: {  	_ =	shalt  }
0x44: {  	_ =	shalt  }
0x45: {  	_ =	shalt  }
0x46: {  	_ =	shalt  }
0x47: {  	_ =	shalt  }
0x48: {  	_ =	shalt  }
0x49: {  	_ =	shalt  }
0x4a: {  	_ =	shalt  }
0x4b: {  	_ =	shalt  }
0x4c: {  	_ =	shalt  }
0x4d: {  	_ =	shalt  }
0x4e: {  	_ =	shalt  }
0x4f: {  	_ =	shalt  }
0x50: {  	_ =	shalt  }
0x51: {  	_ =	shalt  }
0x52: {  	_ =	shalt  }
0x53: {  	_ =	shalt  }
0x54: {  	_ =	shalt  }
0x55: {  	_ =	shalt  }
0x56: {  	_ =	shalt  }
0x57: {  	_ =	shalt  }
0x58: {  	_ =	shalt  }
0x59: {  	_ =	shalt  }
0x5a: {  	_ =	shalt  }
0x5b: {  	_ =	shalt  }
0x5c: {  	_ =	shalt  }
0x5d: {  	_ =	shalt  }
0x5e: {  	_ =	shalt  }
0x5f: {  	_ =	shalt  }
0x60: {  	_ =	shalt  }
0x61: {  	_ =	shalt  }
0x62: {  	_ =	shalt  }
0x63: {  	_ =	shalt  }
0x64: {  	_ =	shalt  }
0x65: {  	_ =	shalt  }
0x66: {  	_ =	shalt  }
0x67: {  	_ =	shalt  }
0x68: {  	_ =	shalt  }
0x69: {  	_ =	shalt  }
0x6a: {  	_ =	shalt  }
0x6b: {  	_ =	shalt  }
0x6c: {  	_ =	shalt  }
0x6d: {  	_ =	shalt  }
0x6e: {  	_ =	shalt  }
0x6f: {  	_ =	shalt  }
0x70: {  	_ =	shalt  }
0x71: {  	_ =	shalt  }
0x72: {  	_ =	shalt  }
0x73: {  	_ =	shalt  }
0x74: {  	_ =	shalt  }
0x75: {  	_ =	shalt  }
0x76: {  	_ =	shalt  }
0x77: {  	_ =	shalt  }
0x78: {  	_ =	shalt  }
0x79: {  	_ =	shalt  }
0x7a: {  	_ =	shalt  }
0x7b: {  	_ =	shalt  }
0x7c: {  	_ =	shalt  }
0x7d: {  	_ =	shalt  }
0x7e: {  	_ =	shalt  }
0x7f: {  	_ =	shalt  }
0x80: {  	_ =	shalt  }
0x81: {  	_ =	shalt  }
0x82: {  	_ =	shalt  }
0x83: {  	_ =	shalt  }
0x84: {  	_ =	shalt  }
0x85: {  	_ =	shalt  }
0x86: {  	_ =	shalt  }
0x87: {  	_ =	shalt  }
.Lfunc_end0:
.L_simem_size_0:
called_computation_lowered:
.L_overlay_start_0:
0x88: {  	s2 =	sld [smem:$0x3FD9]  }
0x89: {  	s3 =	sld [smem:$0x3FFE];
	_ =	sdelay $0x1  }
0x8a: {  	s1 =	srdreg.scid  }
0x8b: {  	s0 =	sand.u32 $0x1, s1  }
0x8c: {  	s17 =	sshll.u32 s0, $0xA;
	s2 =	sadd.s32 s3, s2  }
0x8d: {  	s2 =	sadd.s32 s2, s17  }
0x8e: {  	[smem:$0x3FC2] =	sst s2  }
0x8f: {  	_ = 	snop  }
0x90: {  	s2 =	sld [smem:$0x3FD0];
	(tm) =	ssettm $0x1  }
0x91: {  	s18 =	sld [smem:$0x3FFB];
	_ =	sdelay $0x3  }
0x92: {  	_ =	strace s18  }
0x93: {  	s3 =	sld [smem:$0x3FFC];
	_ =	sdelay $0x3  }
0x94: {  	_ =	strace s3  }
0x95: {  	s3 =	sld [smem:$0x3FFD];
	_ =	sdelay $0x3  }
0x96: {  	_ =	strace s3  }
0x97: {  	_ =	strace $0x8FFFFFFF  }
0x98: {  	s19 =	sld [smem:$0x3FDB];
	_ =	sdelay $0x1  }
0x99: {  	s4 =	simm.s32 $_scs_section_size  }
0x9a: {  	s5 =	simm.s32 $_size__tile_overlayer_lowered;
	s6 =	simm.s32 $_tile_overlayer_lowered  }
0x9b: {  	s22 =	simm.s32 $0x1BFF;
	s21 =	sshll.u32 s6, $0x1;
	s3 =	sadd.s32 s4, s19  }
0x9c: {  	s7 =	simm.s32 $0x0;
	s20 =	sshll.u32 s5, $0x1;
	s5 =	sadd.s32 s21, s3  }
0x9d: {  	[timem:s7], [sflag:s22] =	dma.local [hbm:s5], s20  }
0x9e: {  	_ =	swait.ge [sflag:s22], s20  }
0x9f: {  	s4 =	ssub.s32 $0x0, s20;
	[sflag:s22] =	ssyncset.done $0x0  }
0xa0: {  	[sflag:s22] =	ssyncadd.s32 s4;
	_ =	sdelay $0x1  }
0xa1: {  	s23 =	simm.s32 $0x1B8B  }
0xa2: {  	_ =	swait.ge [sflag:s23], $0x1  }
0xa3: {  	[sflag:s23] =	ssyncset.done $0x0  }
0xa4: {  	s25 =	simm.s32 $0x1B8E;
	s24 =	sld [smem:$0x3FFE];
	[sflag:s23] =	ssyncadd.s32 $0xFFFFFFFF  }
0xa5: {  	s26 =	simm.s32 $execute0_lowered;
	[smem:$0x3FD2] =	sst s25  }
0xa6: {  	s5 =	sshll.u32 s26, $0x1;
	_ =	strace $0x80000046;
	[dreg:$0x1] =	wrdreg $0xFFFFFFFF  }
0xa7: {  	s28 =	simm.s32 $_size_execute0_lowered;
	s3 =	sadd.s32 s3, s5;
	[dreg:$0x0] =	wrdreg $0x0  }
0xa8: {  	s5 =	sshll.u32 s28, $0x1;
	[dreg:$0x2] =	wrdreg s3  }
0xa9: {  	[dreg:$0x3] =	wrdreg s5  }
0xaa: {  	[dreg:$0x4] =	wrdreg $0xC0  }
0xab: {  	_ =	task [dreg:s7], $0x5FFFF  }
0xac: {  	[dreg:$0x1] =	wrdreg $0xFFFFFFFF  }
0xad: {  	[dreg:$0x0] =	wrdreg $0x60  }
0xae: {  	[dreg:$0x2] =	wrdreg s2  }
0xaf: {  	[dreg:$0x3] =	wrdreg s24  }
0xb0: {  	[dreg:$0x4] =	wrdreg $0x0  }
0xb1: {  	[dreg:$0x5] =	wrdreg $0x9  }
0xb2: {  	_ =	task.clear_ibuf [dreg:s7], $0x6FFFF;
	_ =	strace $0x90000046  }
0xb3: {  	s29 =	simm.s32 $0x9;
	_ =	strace $0x80000048  }
0xb4: {  	_ =	swait.ge [sflag:s29], $0x1  }
0xb5: {  	[sflag:s29] =	ssyncadd.s32 $0xFFFFFFFF  }
0xb6: {  	_ =	strace $0x90000048  }
0xb7: {  	_ =	sfence  }
0xb8: {  	s30 =	sld [smem:$0x0];
	_ =	sdelay $0x2  }
0xb9: {  	s31 =	sshll.u32 s1, $0xD;
	s1 =	sshrl.u32 s1, $0x2  }
0xba: {  	s3 =	sand.u32 $0x4000, s31;
	s1 =	sadd.s32 s1, s30  }
0xbb: {  	s0 =	sor.u32 s3, s0;
	s1 =	sshll.u32 s1, $0x11  }
0xbc: {  	s0 =	sor.u32 s1, s0  }
0xbd: {  	s0 =	sadd.s32 $0x8F2B, s0  }
0xbe: {  	[sflag:s0] =	ssyncadd.remote.s32 $0x1  }
0xbf: {  	_ =	sfence.sel $0xFFFF  }
0xc0: {  	[dreg:$0x0] =	wrdreg $0xFFFFFFFF;
	(pc) =	sbr.abs _section_cstart, $3  }
0xc1: {  	[dreg:$0x1] =	wrdreg $0xFFFFFFFF  }
0xc2: {  	_ =	task.clear_ibuf [dreg:s7], $0x2FFFF;
	_ =	strace $0x9FFFFFFF  }
0xc3: {  	(tm) =	ssettm $0x7FFFFFFF  }
tec
execute0_lowered:
.L_overlay_start_1:
0x0: {  	(tag) =	ssettag $0x1  }
0x1: {  	s9 =	rddreg [dreg:$0x0]  }
0x2: {  	s4 =	rddreg [dreg:$0x1]  }
0x3: {  	s0 =	srdreg.scid;
	s2 =	rddreg [dreg:$0x2]  }
0x4: {  	s1 =	rddreg [dreg:$0x3];
	s3 =	simm.s32 $0x0;
	s7 =	sand.u32 $0x1, s0  }
0x5: {  	s14 =	simm.s32 $0x2800;
	s0 =	stileid.u32;
	s5 =	smul.u32 $0x140000, s7  }
0x6: {  	s15 =	simm.s32 $0x80;
	s16 =	simm.s32 $0x2880;
	s6 =	smul.u32 $0x14000, s0  }
0x7: {  	s19 =	simm.s32 $0x0;
	[smem:$0x7FF] =	sst s3;
	s29 =	smul.u32 $0x50000, s0  }
0x8: {  	_ =	strace $0x80000047;
	s8 =	ssub.s32 $0x2, s7;
	s12 =	smul.u32 $0x9E0, s0  }
0x9: {  	s13 =	smul.u32 $0x4F0, s7;
	s17 =	sshll.u32 s0, $0x6;
	s5 =	sadd.s32 s6, s5  }
0xa: {  	s30 =	sshrl.u32 s8, $0x1;
	s31 =	sshrl.u32 s29, $0x2;
	s5 =	sshrl.u32 s5, $0x3  }
0xb: {  	s17 =	sor.u32 $0x1C01, s17;
	s10 =	sadd.s32 s5, s4;
	s4 =	sadd.s32 s31, s2  }
0xc: {  	s11 =	ssub.s32 s8, s30;
	s12 =	sadd.s32 s12, s9;
	s5 =	sadd.s32 $0x4000, s4  }
0xd: {  	s6 =	sadd.s32 $0x8000, s4;
	s7 =	sadd.s32 $0xC000, s4;
	s8 =	sadd.s32 $0x10000, s4  }
0xe: {  	s9 =	sadd.s32 $0x2200, s10;
	s10 =	smax.u32 s11, $0x1;
	s11 =	sadd.s32 s13, s12  }
0xf: {  	v0 =	vimm.f32 $1.000000000e+00;
	v1 =	vimm.f32 $0.0e+00;
	s12 =	simm.s32 $0x6880;
	s13 =	simm.s32 $0x1;
	s18 =	sshrl.u32 s4, $0x3  }
.LBB2_1:
0x10: {  	s20 =	simm.s32 $0x200;
	s21 =	simm.s32 $0x0  }
.LBB2_2:
0x11: {  	p0 =	sne.s32 s20, $0xFE00;
	[tilespmem:s21+$0x2880] =	vst v0;
	s22 =	smov.u32 s20;
	s20 =	sadd.s32 $0x200, s20  }
.Ltmp0:
0x12: {  	[tilespmem:s21+$0x6880] =	vst v1;
	(pc) =	sbr.rel @p0 .LBB2_2-.Ltmp0, $2  }
0x13: {  	_ =	sdelay $0x2  }
0x14: {  	s21 =	sshra.s32 s22, $0x2  }
0x15: {  	[tilespmem:s21+$0x2880] =	vst v0  }
0x16: {  	[tilespmem:s21+$0x6880] =	vst v1  }
0x17: {  	[spmem:s4] =	stream.linear.scatter [tilespmem:s12], [sflag:$0x1], $0x4000, $0x38;
	[tilespmem:$0xA880] =	vst v63  }
0x18: {  	_ =	swait.ge [sflag:s13], $0x4000  }
0x19: {  	[sflag:s13] =	ssyncset.done $0x0  }
0x1a: {  	[sflag:s13] =	ssyncadd.s32 $0xFFFFC000  }
0x1b: {  	[spmem:s5] =	stream.linear.scatter [tilespmem:s12], [sflag:$0x1], $0x4000, $0x38;
	[tilespmem:$0xA880] =	vst v63  }
0x1c: {  	_ =	swait.ge [sflag:s13], $0x4000  }
0x1d: {  	[sflag:s13] =	ssyncset.done $0x0  }
0x1e: {  	[sflag:s13] =	ssyncadd.s32 $0xFFFFC000  }
0x1f: {  	[spmem:s6] =	stream.linear.scatter [tilespmem:s12], [sflag:$0x1], $0x4000, $0x38;
	[tilespmem:$0xA880] =	vst v63  }
0x20: {  	_ =	swait.ge [sflag:s13], $0x4000  }
0x21: {  	[sflag:s13] =	ssyncset.done $0x0  }
0x22: {  	[sflag:s13] =	ssyncadd.s32 $0xFFFFC000  }
0x23: {  	[spmem:s7] =	stream.linear.scatter [tilespmem:s12], [sflag:$0x1], $0x4000, $0x38;
	[tilespmem:$0xA880] =	vst v63  }
0x24: {  	_ =	swait.ge [sflag:s13], $0x4000  }
0x25: {  	[sflag:s13] =	ssyncset.done $0x0  }
0x26: {  	[sflag:s13] =	ssyncadd.s32 $0xFFFFC000  }
0x27: {  	[spmem:s8] =	stream.linear.scatter [tilespmem:s12], [sflag:$0x1], $0x4000, $0x38;
	[tilespmem:$0xA880] =	vst v63  }
0x28: {  	_ =	swait.ge [sflag:s13], $0x4000  }
0x29: {  	[sflag:s13] =	ssyncset.done $0x0  }
0x2a: {  	[sflag:s13] =	ssyncadd.s32 $0xFFFFC000  }
0x2b: {  	s20 =	sadd.s32 $0x0, s11;
	[bflag:$0x0] =	sbarrier.arrive $0xFFFF  }
0x2c: {  	[tilespmem:s14], [sflag:$0x1] =	stream.linear.gather [hbm4b:s20+s3], $0x80, $0x38;
	[tilespmem:$0xA880] =	vst v63  }
0x2d: {  	_ =	swait.ge [sflag:s13], $0x80  }
0x2e: {  	[sflag:s13] =	ssyncset.done $0x0  }
0x2f: {  	[sflag:s13] =	ssyncadd.s32 $0xFFFFFF80  }
0x30: {  	[spmem:s2] =	stream.indirect.scatter.add.f32 [tilespmem:s16], [sflag:$0x1], $0x10, s14, s15, $0xb8;
	[tilespmem:$0xA880] =	vst v63  }
0x31: {  	_ =	swait.ge [sflag:s13], $0x800  }
0x32: {  	s21 =	simm.s32 $0x20;
	s20 =	simm.s32 $0x10;
	[sflag:s13] =	ssyncset.done $0x0  }
.LBB2_4:
0x33: {  	s22 =	sadd.s32 s20, s11  }
0x34: {  	[sflag:s13] =	ssyncadd.s32 $0xFFFFF800;
	s20 =	smov.u32 s21;
	s23 =	sadd.s32 $0x10, s21  }
0x35: {  	[tilespmem:s14], [sflag:$0x1] =	stream.linear.gather [hbm4b:s22+s3], $0x80, $0x38;
	[tilespmem:$0xA880] =	vst v63  }
0x36: {  	p0 =	sne.s32 s21, $0x4E0;
	_ =	swait.ge [sflag:s13], $0x80  }
.Ltmp1:
0x37: {  	[sflag:s13] =	ssyncset.done $0x0;
	(pc) =	sbr.rel @p0 .LBB2_4-.Ltmp1, $4  }
0x38: {  	[sflag:s13] =	ssyncadd.s32 $0xFFFFFF80  }
0x39: {  	[spmem:s2] =	stream.indirect.scatter.add.f32 [tilespmem:s16], [sflag:$0x1], $0x10, s14, s15, $0xb8;
	[tilespmem:$0xA880] =	vst v63  }
0x3a: {  	_ =	swait.ge [sflag:s13], $0x800  }
0x3b: {  	s21 =	smov.u32 s23;
	[sflag:s13] =	ssyncset.done $0x0  }
0x3c: {  	s20 =	sadd.s32 s20, s11;
	[sflag:s13] =	ssyncadd.s32 $0xFFFFF800  }
0x3d: {  	[tilespmem:s14], [sflag:$0x1] =	stream.linear.gather [hbm4b:s20+s3], $0x80, $0x38;
	[tilespmem:$0xA880] =	vst v63  }
0x3e: {  	_ =	swait.ge [sflag:s13], $0x80  }
0x3f: {  	[sflag:s13] =	ssyncset.done $0x0  }
0x40: {  	[sflag:s13] =	ssyncadd.s32 $0xFFFFFF80  }
0x41: {  	[spmem:s2] =	stream.indirect.scatter.add.f32 [tilespmem:s16], [sflag:$0x1], $0x10, s14, s15, $0xb8;
	[tilespmem:$0xA880] =	vst v63  }
0x42: {  	_ =	swait.ge [sflag:s13], $0x800  }
0x43: {  	s19 =	sadd.s32 $0x1, s19;
	[sflag:s13] =	ssyncset.done $0x0  }
0x44: {  	p0 =	sne.s32 s19, s10;
	[sflag:s13] =	ssyncadd.s32 $0xFFFFF800  }
.Ltmp2:
0x45: {  	[bflag:$0x0] =	sbarrier.arrive $0xFFFF;
	(pc) =	sbr.rel @p0 .LBB2_1-.Ltmp2, $4  }
0x46: {  	[hbm:s9], [sflag:s17] =	dma.local [spmem:s18], $0x2800  }
0x47: {  	_ =	swait.ge [sflag:s13], $0x2800  }
0x48: {  	[sflag:s13] =	ssyncset.done $0x0  }
0x49: {  	[sflag:s13] =	ssyncadd.s32 $0xFFFFD800  }
0x4a: {  	_ =	sfence.sel $0x180000  }
0x4b: {  	[bflag:$0x0] =	sbarrier.arrive $0xFFFF  }
0x4c: {  	p0 =	sne.s32 s0, $0x0;
	_ =	strace $0x90000047  }
0x4d: {  	s0 =	sadd.s32 @!p0 $0x100000, s1;
	[bflag:$0x2] =	sbarrier.arrive $0xFFFF  }
0x4e: {  	[sflag:s0] =	ssyncadd.tile.s32 @!p0 $0x1;
	_ =	shalt  }
.Lfunc_end2:
_tile_overlayer_lowered:
.L_overlay_start_2:
0x4f: {  	(tag) =	ssettag $0x2  }
0x50: {  	s0 =	rddreg [dreg:$0x0];
	s2 =	stileid.u32  }
0x51: {  	s1 =	rddreg [dreg:$0x1];
	p0 =	sne.s32 s2, $0x0  }
0x52: {  	s3 =	rddreg [dreg:$0x2];
	[bflag:$0x3] =	sbarrier.arrive $0xFFFF;
	s2 =	simm.s32 @!p0 $0x1C01  }
0x53: {  	[timem:s3], [sflag:s2] =	dma.local @!p0 [hbm:s0], s1  }
0x54: {  	s0 =	simm.s32 @!p0 $0x1  }
0x55: {  	_ =	swait.ge @!p0 [sflag:s0], s1  }
0x56: {  	s1 =	ssub.s32 @!p0 $0x0, s1;
	[sflag:s0] =	ssyncset.done @!p0 $0x0  }
0x57: {  	[sflag:s0] =	ssyncadd.s32 @!p0 s1  }
0x58: {  	[bflag:$0x3] =	sbarrier.arrive $0xFFFF  }
0x59: {  	_ =	shalt  }

</sc_bundles>
